<compile_context>
chip_gen: v7x
topology: tpu7x:2x2x1
jax: 0.10.2.dev20260603
libtpu: 0.0.44.dev20260713+nightly
codegen_flags: <defaults>
</compile_context>

<pallas_src>
import functools

import jax
import jax.numpy as jnp
from jax import lax
from jax.experimental import pallas as pl
from jax.experimental.pallas import tpu as pltpu
from jax.experimental.pallas import tpu_sc as plsc

_E_TILE = 1024
_CHUNK = 128
_NC, _NS = 2, 16



def _argmin_body(p_ref, e_ref, idx_ref, cnt_ref, *, n_events):
    Tp = p_ref.shape[0]
    p_col = p_ref[...]
    p_iota = jax.lax.broadcasted_iota(jnp.int32, (Tp, 1), 0).astype(jnp.float32)
    rows_per_tile = _E_TILE // 128

    cnt_ref[...] = jnp.zeros((Tp, 1), jnp.float32)

    def step(t, _):
        e_row = e_ref[:, pl.ds(t * _E_TILE, _E_TILE)]
        dist = jnp.abs(p_col - e_row)
        min_d = jnp.min(dist, axis=0, keepdims=True)
        masked = jnp.where(dist == min_d, p_iota, jnp.float32(Tp))
        min_idx = jnp.min(masked, axis=0, keepdims=True)
        oh_t = (p_iota == min_idx).astype(jnp.float32)
        cnt_ref[...] += jnp.sum(oh_t, axis=1, keepdims=True)
        idx_ref[pl.ds(t * rows_per_tile, rows_per_tile), :] = (
            min_idx.astype(jnp.int32).reshape(rows_per_tile, 128)
        )
        return 0

    jax.lax.fori_loop(0, n_events // _E_TILE, step, 0)



def _sc_scatter_body(idx_hbm, ev_hbm, sum_hbm,
                     idx_v, stage_v, zero_v, acc_sh):
    Tp = acc_sh.shape[1]
    cid = lax.axis_index("c")
    sid = lax.axis_index("s")
    b_loc = sid // 8
    q = sid % 8
    b = cid * 2 + b_loc
    slab = acc_sh.at[b_loc]

    zero16 = jnp.zeros((16,), jnp.float32)

    def zrow(i, _):
        for r in range(4):
            for k in range(8):
                zero_v[i * 4 + r, pl.ds(k * 16, 16)] = zero16
        return 0

    lax.fori_loop(0, zero_v.shape[0] // 4, zrow, 0)

    pltpu.sync_copy(idx_hbm.at[b, pl.ds(q * 4, 4)], idx_v)

    def do_d_pass(dp):
        c0 = dp * 128
        pltpu.sync_copy(zero_v, slab.at[pl.ds(q * 256, 256)])
        plsc.subcore_barrier()

        def chunk(j, _):
            e0 = q * 512 + j * _CHUNK
            pltpu.sync_copy(
                ev_hbm.at[b, pl.ds(e0, _CHUNK), pl.ds(c0, 128)], stage_v
            )
            pltpu.sync_copy(stage_v, slab.at[idx_v.at[j]], add=True)
            return 0

        lax.fori_loop(0, 4, chunk, 0)
        plsc.subcore_barrier()
        pltpu.sync_copy(
            slab.at[pl.ds(q * 256, 256)],
            sum_hbm.at[b, pl.ds(q * 256, 256), pl.ds(c0, 128)],
        )
        plsc.subcore_barrier()

    do_d_pass(0)
    do_d_pass(1)



def _divide_body(sum_ref, cnt_ref, out_ref):
    out_ref[...] = sum_ref[...] / jnp.maximum(cnt_ref[...], 1.0)



def _tc_argmin(p, e, Tp, Te):
    Bh = p.shape[0]
    n_rows = Te // _CHUNK
    return pl.pallas_call(
        functools.partial(_argmin_body, n_events=Te),
        grid=(Bh,),
        in_specs=[
            pl.BlockSpec((None, Tp, 1), lambda b: (b, 0, 0)),
            pl.BlockSpec((None, 1, Te), lambda b: (b, 0, 0)),
        ],
        out_specs=[
            pl.BlockSpec((None, n_rows, _CHUNK), lambda b: (b, 0, 0)),
            pl.BlockSpec((None, Tp, 1), lambda b: (b, 0, 0)),
        ],
        out_shape=[
            jax.ShapeDtypeStruct((Bh, n_rows, _CHUNK), jnp.int32),
            jax.ShapeDtypeStruct((Bh, Tp, 1), jnp.float32),
        ],
    )(p.reshape(Bh, Tp, 1), e.reshape(Bh, 1, Te))


def _sc_scatter(idx, ev, Tp, D):
    Bh = ev.shape[0]
    mesh = plsc.VectorSubcoreMesh(core_axis_name="c", subcore_axis_name="s")
    return pl.kernel(
        _sc_scatter_body,
        out_type=jax.ShapeDtypeStruct((Bh, Tp, D), jnp.float32),
        mesh=mesh,
        scratch_types=[
            pltpu.VMEM((4, _CHUNK), jnp.int32),
            pltpu.VMEM((_CHUNK, 128), jnp.float32),
            pltpu.VMEM((256, 128), jnp.float32),
            pltpu.VMEM_SHARED((2, Tp, 128), jnp.float32),
        ],
    )(idx, ev)


def _tc_divide(out_sum, counts, Tp, D):
    Bh = out_sum.shape[0]
    return pl.pallas_call(
        _divide_body,
        grid=(Bh,),
        in_specs=[
            pl.BlockSpec((None, Tp, D), lambda b: (b, 0, 0)),
            pl.BlockSpec((None, Tp, 1), lambda b: (b, 0, 0)),
        ],
        out_specs=pl.BlockSpec((None, Tp, D), lambda b: (b, 0, 0)),
        out_shape=jax.ShapeDtypeStruct((Bh, Tp, D), jnp.float32),
    )(out_sum, counts)


def kernel(price_timestamps, event_timestamps, event_values):
    B, Tp = price_timestamps.shape
    Te = event_timestamps.shape[1]
    D = event_values.shape[2]
    Bh = B // 2

    idx0, cnt0 = _tc_argmin(price_timestamps[:Bh], event_timestamps[:Bh], Tp, Te)
    sum0 = _sc_scatter(idx0, event_values[:Bh], Tp, D)
    idx1, cnt1 = _tc_argmin(price_timestamps[Bh:], event_timestamps[Bh:], Tp, Te)
    sum1 = _sc_scatter(idx1, event_values[Bh:], Tp, D)
    out0 = _tc_divide(sum0, cnt0, Tp, D)
    out1 = _tc_divide(sum1, cnt1, Tp, D)

    out = jnp.concatenate([out0, out1], axis=0)
    counts = jnp.concatenate([cnt0.reshape(Bh, Tp), cnt1.reshape(Bh, Tp)], axis=0)
    return out, counts > 0

# --- scband reference (transcript-rebuilt; emitter-appended) ---
"""Pipeline reference for scband-temporal-alignment-48902497632797 (READ-ONLY COPY).

The authoritative reference and input builder live on the scoring server;
editing this copy changes nothing except your own understanding.
"""

import jax, jax.numpy as jnp
import numpy as np


def setup_inputs(seed: int = 0) -> dict:
    key = jax.random.key(seed)
    k1, k2, k3 = jax.random.split(key, 3)
    price_timestamps = jax.random.uniform(k1, (8, 2048), dtype=jnp.float32)
    event_timestamps = jax.random.uniform(k2, (8, 4096), dtype=jnp.float32)
    event_values = jax.random.normal(k3, (8, 4096, 256), dtype=jnp.float32)
    return {
        "price_timestamps": price_timestamps,
        "event_timestamps": event_timestamps,
        "event_values": event_values,
    }


def reference(price_timestamps, event_timestamps, event_values):
    # method == 'nearest'
    B, T_price = price_timestamps.shape
    T_events = event_timestamps.shape[1]
    D = event_values.shape[2]
    # pairwise |event_ts - price_ts| -> nearest bar per event
    dist = jnp.abs(event_timestamps[:, :, None] - price_timestamps[:, None, :])  # (B, Te, Tp)
    nearest_idx = jnp.argmin(dist, axis=2)  # (B, Te) int
    # flatten batch into scatter index
    flat_idx = (nearest_idx + jnp.arange(B)[:, None] * T_price).reshape(-1)  # (B*Te,)
    aligned = jnp.zeros((B * T_price, D), dtype=event_values.dtype).at[flat_idx].add(
        event_values.reshape(-1, D)
    )
    counts = jnp.zeros((B * T_price,), dtype=jnp.float32).at[flat_idx].add(1.0)
    coverage = counts > 0
    # average where counts > 0; zeros elsewhere stay zero (divide by max(counts,1))
    aligned = aligned / jnp.maximum(counts, 1.0)[:, None]
    return aligned.reshape(B, T_price, D), coverage.reshape(B, T_price)

if __name__ == "__main__":
    import jax
    _d = setup_inputs()
    print(jax.jit(kernel)(*tuple(_d.values())))

</pallas_src>

<mosaic_0001>
#map = affine_map<(d0, d1) -> (0, 0, 0)>
module attributes {stable_mosaic.version = 14 : i64} {
  func.func @_sc_scatter_body(%arg0: i32, %arg1: i32, %arg2: memref<4x32x128xi32, #tpu.memory_space<hbm>>, %arg3: memref<4x4096x256xf32, #tpu.memory_space<hbm>>, %arg4: memref<4x2048x256xf32, #tpu.memory_space<hbm>>, %arg5: memref<4x128xi32, #tpu.memory_space<vmem>>, %arg6: memref<128x128xf32, #tpu.memory_space<vmem>>, %arg7: memref<256x128xf32, #tpu.memory_space<vmem>>, %arg8: memref<2x2048x128xf32, #tpu.memory_space<vmem_shared>>) attributes {dimension_semantics = [#tpu.dimension_semantics<core_parallel>, #tpu.dimension_semantics<subcore_parallel>], iteration_bounds = array<i64: 2, 16>, scalar_prefetch = 0 : i64, scratch_operands = 4 : i64, tpu.core_type = #tpu.core_type<sc_vector_subcore>, window_params = [{transform_indices = #map}, {transform_indices = #map}, {transform_indices = #map}]} {
    %jit3A = arith.constant 8 : i32
    %div3A = arith.divsi %arg1, %jit3A : i32
    %sign3A = arith.constant 0 : i32
    %sign3A_0 = arith.cmpi sgt, %arg1, %sign3A : i32
    %sign3A_1 = arith.extui %sign3A_0 : i1 to i32
    %sign3A_2 = arith.constant 0 : i32
    %sign3A_3 = arith.cmpi slt, %arg1, %sign3A_2 : i32
    %sign3A_4 = arith.extui %sign3A_3 : i1 to i32
    %sign3A_5 = arith.subi %sign3A_1, %sign3A_4 : i32
    %sign3A_6 = arith.constant 0 : i32
    %sign3A_7 = arith.cmpi sgt, %jit3A, %sign3A_6 : i32
    %sign3A_8 = arith.extui %sign3A_7 : i1 to i32
    %sign3A_9 = arith.constant 0 : i32
    %sign3A_10 = arith.cmpi slt, %jit3A, %sign3A_9 : i32
    %sign3A_11 = arith.extui %sign3A_10 : i1 to i32
    %sign3A_12 = arith.subi %sign3A_8, %sign3A_11 : i32
    %ne3A = arith.cmpi ne, %sign3A_5, %sign3A_12 : i32
    %rem3A = arith.remsi %arg1, %jit3A : i32
    %ne3A_13 = arith.constant 0 : i32
    %ne3A_14 = arith.cmpi ne, %rem3A, %ne3A_13 : i32
    %and3A = arith.andi %ne3A, %ne3A_14 : i1
    %sub3A = arith.constant 1 : i32
    %sub3A_15 = arith.subi %div3A, %sub3A : i32
    %select_n3A = arith.select %and3A, %sub3A_15, %div3A : i32
    %jit3A_16 = arith.constant 8 : i32
    %eq3A = arith.constant 0 : i32
    %eq3A_17 = arith.cmpi eq, %jit3A_16, %eq3A : i32
    %jit3A_18 = arith.constant 1 : i32
    %select_n3A_19 = arith.select %eq3A_17, %jit3A_18, %jit3A_16 : i32
    %rem3A_20 = arith.remsi %arg1, %select_n3A_19 : i32
    %ne3A_21 = arith.constant 0 : i32
    %ne3A_22 = arith.cmpi ne, %rem3A_20, %ne3A_21 : i32
    %lt3A = arith.constant 0 : i32
    %lt3A_23 = arith.cmpi slt, %rem3A_20, %lt3A : i32
    %lt3A_24 = arith.constant 0 : i32
    %lt3A_25 = arith.cmpi slt, %select_n3A_19, %lt3A_24 : i32
    %ne3A_26 = arith.xori %lt3A_23, %lt3A_25 : i1
    %and3A_27 = arith.andi %ne3A_26, %ne3A_22 : i1
    %add3A = arith.addi %rem3A_20, %select_n3A_19 : i32
    %select_n3A_28 = arith.select %and3A_27, %add3A, %rem3A_20 : i32
    %mul3A = arith.constant 2 : i32
    %mul3A_29 = arith.muli %arg0, %mul3A : i32
    %add3A_30 = arith.addi %mul3A_29, %select_n3A : i32
    %broadcast_in_dim3A = arith.constant 0.000000e+00 : f32
    %broadcast_in_dim3A_31 = vector.broadcast %broadcast_in_dim3A : f32 to vector<16xf32>
    %scan3A = arith.constant 0 : i32
    %scan3A_32 = arith.constant 0 : i32
    %scan3A_33 = arith.constant 64 : i32
    %scan3A_34 = arith.addi %scan3A_32, %scan3A_33 : i32
    %scan3A_35 = arith.constant 1 : i32
    %scan3A_36 = scf.for %scan3A_71 = %scan3A_32 to %scan3A_34 step %scan3A_35 iter_args(%scan3A_72 = %scan3A) -> (i32)  : i32 {
      %mul3A_73 = arith.constant 4 : i32
      %mul3A_74 = arith.muli %scan3A_71, %mul3A_73 : i32
      %add3A_75 = arith.constant 0 : i32
      %add3A_76 = arith.addi %mul3A_74, %add3A_75 : i32
      %swap3A = arith.index_cast %add3A_76 : i32 to index
      %swap3A_77 = arith.constant 0 : index
      %swap3A_78 = tpu.vector_load %arg7[%swap3A, %swap3A_77] {strides = array<i32>} : memref<256x128xf32, #tpu.memory_space<vmem>>, vector<1x16xf32>,
      %swap3A_79 = vector.shape_cast %swap3A_78 : vector<1x16xf32> to vector<16xf32>
      %swap3A_80 = vector.shape_cast %broadcast_in_dim3A_31 : vector<16xf32> to vector<1x16xf32>
      tpu.vector_store %arg7[%swap3A, %swap3A_77], %swap3A_80 {strides = array<i32>} : memref<256x128xf32, #tpu.memory_space<vmem>>, vector<1x16xf32>,
      %mul3A_81 = arith.constant 4 : i32
      %mul3A_82 = arith.muli %scan3A_71, %mul3A_81 : i32
      %add3A_83 = arith.constant 0 : i32
      %add3A_84 = arith.addi %mul3A_82, %add3A_83 : i32
      %swap3A_85 = arith.index_cast %add3A_84 : i32 to index
      %swap3A_86 = arith.constant 16 : index
      %swap3A_87 = tpu.vector_load %arg7[%swap3A_85, %swap3A_86] {strides = array<i32>} : memref<256x128xf32, #tpu.memory_space<vmem>>, vector<1x16xf32>,
      %swap3A_88 = vector.shape_cast %swap3A_87 : vector<1x16xf32> to vector<16xf32>
      %swap3A_89 = vector.shape_cast %broadcast_in_dim3A_31 : vector<16xf32> to vector<1x16xf32>
      tpu.vector_store %arg7[%swap3A_85, %swap3A_86], %swap3A_89 {strides = array<i32>} : memref<256x128xf32, #tpu.memory_space<vmem>>, vector<1x16xf32>,
      %mul3A_90 = arith.constant 4 : i32
      %mul3A_91 = arith.muli %scan3A_71, %mul3A_90 : i32
      %add3A_92 = arith.constant 0 : i32
      %add3A_93 = arith.addi %mul3A_91, %add3A_92 : i32
      %swap3A_94 = arith.index_cast %add3A_93 : i32 to index
      %swap3A_95 = arith.constant 32 : index
      %swap3A_96 = tpu.vector_load %arg7[%swap3A_94, %swap3A_95] {strides = array<i32>} : memref<256x128xf32, #tpu.memory_space<vmem>>, vector<1x16xf32>,
      %swap3A_97 = vector.shape_cast %swap3A_96 : vector<1x16xf32> to vector<16xf32>
      %swap3A_98 = vector.shape_cast %broadcast_in_dim3A_31 : vector<16xf32> to vector<1x16xf32>
      tpu.vector_store %arg7[%swap3A_94, %swap3A_95], %swap3A_98 {strides = array<i32>} : memref<256x128xf32, #tpu.memory_space<vmem>>, vector<1x16xf32>,
      %mul3A_99 = arith.constant 4 : i32
      %mul3A_100 = arith.muli %scan3A_71, %mul3A_99 : i32
      %add3A_101 = arith.constant 0 : i32
      %add3A_102 = arith.addi %mul3A_100, %add3A_101 : i32
      %swap3A_103 = arith.index_cast %add3A_102 : i32 to index
      %swap3A_104 = arith.constant 48 : index
      %swap3A_105 = tpu.vector_load %arg7[%swap3A_103, %swap3A_104] {strides = array<i32>} : memref<256x128xf32, #tpu.memory_space<vmem>>, vector<1x16xf32>,
      %swap3A_106 = vector.shape_cast %swap3A_105 : vector<1x16xf32> to vector<16xf32>
      %swap3A_107 = vector.shape_cast %broadcast_in_dim3A_31 : vector<16xf32> to vector<1x16xf32>
      tpu.vector_store %arg7[%swap3A_103, %swap3A_104], %swap3A_107 {strides = array<i32>} : memref<256x128xf32, #tpu.memory_space<vmem>>, vector<1x16xf32>,
      %mul3A_108 = arith.constant 4 : i32
      %mul3A_109 = arith.muli %scan3A_71, %mul3A_108 : i32
      %add3A_110 = arith.constant 0 : i32
      %add3A_111 = arith.addi %mul3A_109, %add3A_110 : i32
      %swap3A_112 = arith.index_cast %add3A_111 : i32 to index
      %swap3A_113 = arith.constant 64 : index
      %swap3A_114 = tpu.vector_load %arg7[%swap3A_112, %swap3A_113] {strides = array<i32>} : memref<256x128xf32, #tpu.memory_space<vmem>>, vector<1x16xf32>,
      %swap3A_115 = vector.shape_cast %swap3A_114 : vector<1x16xf32> to vector<16xf32>
      %swap3A_116 = vector.shape_cast %broadcast_in_dim3A_31 : vector<16xf32> to vector<1x16xf32>
      tpu.vector_store %arg7[%swap3A_112, %swap3A_113], %swap3A_116 {strides = array<i32>} : memref<256x128xf32, #tpu.memory_space<vmem>>, vector<1x16xf32>,
      %mul3A_117 = arith.constant 4 : i32
      %mul3A_118 = arith.muli %scan3A_71, %mul3A_117 : i32
      %add3A_119 = arith.constant 0 : i32
      %add3A_120 = arith.addi %mul3A_118, %add3A_119 : i32
      %swap3A_121 = arith.index_cast %add3A_120 : i32 to index
      %swap3A_122 = arith.constant 80 : index
      %swap3A_123 = tpu.vector_load %arg7[%swap3A_121, %swap3A_122] {strides = array<i32>} : memref<256x128xf32, #tpu.memory_space<vmem>>, vector<1x16xf32>,
      %swap3A_124 = vector.shape_cast %swap3A_123 : vector<1x16xf32> to vector<16xf32>
      %swap3A_125 = vector.shape_cast %broadcast_in_dim3A_31 : vector<16xf32> to vector<1x16xf32>
      tpu.vector_store %arg7[%swap3A_121, %swap3A_122], %swap3A_125 {strides = array<i32>} : memref<256x128xf32, #tpu.memory_space<vmem>>, vector<1x16xf32>,
      %mul3A_126 = arith.constant 4 : i32
      %mul3A_127 = arith.muli %scan3A_71, %mul3A_126 : i32
      %add3A_128 = arith.constant 0 : i32
      %add3A_129 = arith.addi %mul3A_127, %add3A_128 : i32
      %swap3A_130 = arith.index_cast %add3A_129 : i32 to index
      %swap3A_131 = arith.constant 96 : index
      %swap3A_132 = tpu.vector_load %arg7[%swap3A_130, %swap3A_131] {strides = array<i32>} : memref<256x128xf32, #tpu.memory_space<vmem>>, vector<1x16xf32>,
      %swap3A_133 = vector.shape_cast %swap3A_132 : vector<1x16xf32> to vector<16xf32>
      %swap3A_134 = vector.shape_cast %broadcast_in_dim3A_31 : vector<16xf32> to vector<1x16xf32>
      tpu.vector_store %arg7[%swap3A_130, %swap3A_131], %swap3A_134 {strides = array<i32>} : memref<256x128xf32, #tpu.memory_space<vmem>>, vector<1x16xf32>,
      %mul3A_135 = arith.constant 4 : i32
      %mul3A_136 = arith.muli %scan3A_71, %mul3A_135 : i32
      %add3A_137 = arith.constant 0 : i32
      %add3A_138 = arith.addi %mul3A_136, %add3A_137 : i32
      %swap3A_139 = arith.index_cast %add3A_138 : i32 to index
      %swap3A_140 = arith.constant 112 : index
      %swap3A_141 = tpu.vector_load %arg7[%swap3A_139, %swap3A_140] {strides = array<i32>} : memref<256x128xf32, #tpu.memory_space<vmem>>, vector<1x16xf32>,
      %swap3A_142 = vector.shape_cast %swap3A_141 : vector<1x16xf32> to vector<16xf32>
      %swap3A_143 = vector.shape_cast %broadcast_in_dim3A_31 : vector<16xf32> to vector<1x16xf32>
      tpu.vector_store %arg7[%swap3A_139, %swap3A_140], %swap3A_143 {strides = array<i32>} : memref<256x128xf32, #tpu.memory_space<vmem>>, vector<1x16xf32>,
      %mul3A_144 = arith.constant 4 : i32
      %mul3A_145 = arith.muli %scan3A_71, %mul3A_144 : i32
      %add3A_146 = arith.constant 1 : i32
      %add3A_147 = arith.addi %mul3A_145, %add3A_146 : i32
      %swap3A_148 = arith.index_cast %add3A_147 : i32 to index
      %swap3A_149 = arith.constant 0 : index
      %swap3A_150 = tpu.vector_load %arg7[%swap3A_148, %swap3A_149] {strides = array<i32>} : memref<256x128xf32, #tpu.memory_space<vmem>>, vector<1x16xf32>,
      %swap3A_151 = vector.shape_cast %swap3A_150 : vector<1x16xf32> to vector<16xf32>
      %swap3A_152 = vector.shape_cast %broadcast_in_dim3A_31 : vector<16xf32> to vector<1x16xf32>
      tpu.vector_store %arg7[%swap3A_148, %swap3A_149], %swap3A_152 {strides = array<i32>} : memref<256x128xf32, #tpu.memory_space<vmem>>, vector<1x16xf32>,
      %mul3A_153 = arith.constant 4 : i32
      %mul3A_154 = arith.muli %scan3A_71, %mul3A_153 : i32
      %add3A_155 = arith.constant 1 : i32
      %add3A_156 = arith.addi %mul3A_154, %add3A_155 : i32
      %swap3A_157 = arith.index_cast %add3A_156 : i32 to index
      %swap3A_158 = arith.constant 16 : index
      %swap3A_159 = tpu.vector_load %arg7[%swap3A_157, %swap3A_158] {strides = array<i32>} : memref<256x128xf32, #tpu.memory_space<vmem>>, vector<1x16xf32>,
      %swap3A_160 = vector.shape_cast %swap3A_159 : vector<1x16xf32> to vector<16xf32>
      %swap3A_161 = vector.shape_cast %broadcast_in_dim3A_31 : vector<16xf32> to vector<1x16xf32>
      tpu.vector_store %arg7[%swap3A_157, %swap3A_158], %swap3A_161 {strides = array<i32>} : memref<256x128xf32, #tpu.memory_space<vmem>>, vector<1x16xf32>,
      %mul3A_162 = arith.constant 4 : i32
      %mul3A_163 = arith.muli %scan3A_71, %mul3A_162 : i32
      %add3A_164 = arith.constant 1 : i32
      %add3A_165 = arith.addi %mul3A_163, %add3A_164 : i32
      %swap3A_166 = arith.index_cast %add3A_165 : i32 to index
      %swap3A_167 = arith.constant 32 : index
      %swap3A_168 = tpu.vector_load %arg7[%swap3A_166, %swap3A_167] {strides = array<i32>} : memref<256x128xf32, #tpu.memory_space<vmem>>, vector<1x16xf32>,
      %swap3A_169 = vector.shape_cast %swap3A_168 : vector<1x16xf32> to vector<16xf32>
      %swap3A_170 = vector.shape_cast %broadcast_in_dim3A_31 : vector<16xf32> to vector<1x16xf32>
      tpu.vector_store %arg7[%swap3A_166, %swap3A_167], %swap3A_170 {strides = array<i32>} : memref<256x128xf32, #tpu.memory_space<vmem>>, vector<1x16xf32>,
      %mul3A_171 = arith.constant 4 : i32
      %mul3A_172 = arith.muli %scan3A_71, %mul3A_171 : i32
      %add3A_173 = arith.constant 1 : i32
      %add3A_174 = arith.addi %mul3A_172, %add3A_173 : i32
      %swap3A_175 = arith.index_cast %add3A_174 : i32 to index
      %swap3A_176 = arith.constant 48 : index
      %swap3A_177 = tpu.vector_load %arg7[%swap3A_175, %swap3A_176] {strides = array<i32>} : memref<256x128xf32, #tpu.memory_space<vmem>>, vector<1x16xf32>,
      %swap3A_178 = vector.shape_cast %swap3A_177 : vector<1x16xf32> to vector<16xf32>
      %swap3A_179 = vector.shape_cast %broadcast_in_dim3A_31 : vector<16xf32> to vector<1x16xf32>
      tpu.vector_store %arg7[%swap3A_175, %swap3A_176], %swap3A_179 {strides = array<i32>} : memref<256x128xf32, #tpu.memory_space<vmem>>, vector<1x16xf32>,
      %mul3A_180 = arith.constant 4 : i32
      %mul3A_181 = arith.muli %scan3A_71, %mul3A_180 : i32
      %add3A_182 = arith.constant 1 : i32
      %add3A_183 = arith.addi %mul3A_181, %add3A_182 : i32
      %swap3A_184 = arith.index_cast %add3A_183 : i32 to index
      %swap3A_185 = arith.constant 64 : index
      %swap3A_186 = tpu.vector_load %arg7[%swap3A_184, %swap3A_185] {strides = array<i32>} : memref<256x128xf32, #tpu.memory_space<vmem>>, vector<1x16xf32>,
      %swap3A_187 = vector.shape_cast %swap3A_186 : vector<1x16xf32> to vector<16xf32>
      %swap3A_188 = vector.shape_cast %broadcast_in_dim3A_31 : vector<16xf32> to vector<1x16xf32>
      tpu.vector_store %arg7[%swap3A_184, %swap3A_185], %swap3A_188 {strides = array<i32>} : memref<256x128xf32, #tpu.memory_space<vmem>>, vector<1x16xf32>,
      %mul3A_189 = arith.constant 4 : i32
      %mul3A_190 = arith.muli %scan3A_71, %mul3A_189 : i32
      %add3A_191 = arith.constant 1 : i32
      %add3A_192 = arith.addi %mul3A_190, %add3A_191 : i32
      %swap3A_193 = arith.index_cast %add3A_192 : i32 to index
      %swap3A_194 = arith.constant 80 : index
      %swap3A_195 = tpu.vector_load %arg7[%swap3A_193, %swap3A_194] {strides = array<i32>} : memref<256x128xf32, #tpu.memory_space<vmem>>, vector<1x16xf32>,
      %swap3A_196 = vector.shape_cast %swap3A_195 : vector<1x16xf32> to vector<16xf32>
      %swap3A_197 = vector.shape_cast %broadcast_in_dim3A_31 : vector<16xf32> to vector<1x16xf32>
      tpu.vector_store %arg7[%swap3A_193, %swap3A_194], %swap3A_197 {strides = array<i32>} : memref<256x128xf32, #tpu.memory_space<vmem>>, vector<1x16xf32>,
      %mul3A_198 = arith.constant 4 : i32
      %mul3A_199 = arith.muli %scan3A_71, %mul3A_198 : i32
      %add3A_200 = arith.constant 1 : i32
      %add3A_201 = arith.addi %mul3A_199, %add3A_200 : i32
      %swap3A_202 = arith.index_cast %add3A_201 : i32 to index
      %swap3A_203 = arith.constant 96 : index
      %swap3A_204 = tpu.vector_load %arg7[%swap3A_202, %swap3A_203] {strides = array<i32>} : memref<256x128xf32, #tpu.memory_space<vmem>>, vector<1x16xf32>,
      %swap3A_205 = vector.shape_cast %swap3A_204 : vector<1x16xf32> to vector<16xf32>
      %swap3A_206 = vector.shape_cast %broadcast_in_dim3A_31 : vector<16xf32> to vector<1x16xf32>
      tpu.vector_store %arg7[%swap3A_202, %swap3A_203], %swap3A_206 {strides = array<i32>} : memref<256x128xf32, #tpu.memory_space<vmem>>, vector<1x16xf32>,
      %mul3A_207 = arith.constant 4 : i32
      %mul3A_208 = arith.muli %scan3A_71, %mul3A_207 : i32
      %add3A_209 = arith.constant 1 : i32
      %add3A_210 = arith.addi %mul3A_208, %add3A_209 : i32
      %swap3A_211 = arith.index_cast %add3A_210 : i32 to index
      %swap3A_212 = arith.constant 112 : index
      %swap3A_213 = tpu.vector_load %arg7[%swap3A_211, %swap3A_212] {strides = array<i32>} : memref<256x128xf32, #tpu.memory_space<vmem>>, vector<1x16xf32>,
      %swap3A_214 = vector.shape_cast %swap3A_213 : vector<1x16xf32> to vector<16xf32>
      %swap3A_215 = vector.shape_cast %broadcast_in_dim3A_31 : vector<16xf32> to vector<1x16xf32>
      tpu.vector_store %arg7[%swap3A_211, %swap3A_212], %swap3A_215 {strides = array<i32>} : memref<256x128xf32, #tpu.memory_space<vmem>>, vector<1x16xf32>,
      %mul3A_216 = arith.constant 4 : i32
      %mul3A_217 = arith.muli %scan3A_71, %mul3A_216 : i32
      %add3A_218 = arith.constant 2 : i32
      %add3A_219 = arith.addi %mul3A_217, %add3A_218 : i32
      %swap3A_220 = arith.index_cast %add3A_219 : i32 to index
      %swap3A_221 = arith.constant 0 : index
      %swap3A_222 = tpu.vector_load %arg7[%swap3A_220, %swap3A_221] {strides = array<i32>} : memref<256x128xf32, #tpu.memory_space<vmem>>, vector<1x16xf32>,
      %swap3A_223 = vector.shape_cast %swap3A_222 : vector<1x16xf32> to vector<16xf32>
      %swap3A_224 = vector.shape_cast %broadcast_in_dim3A_31 : vector<16xf32> to vector<1x16xf32>
      tpu.vector_store %arg7[%swap3A_220, %swap3A_221], %swap3A_224 {strides = array<i32>} : memref<256x128xf32, #tpu.memory_space<vmem>>, vector<1x16xf32>,
      %mul3A_225 = arith.constant 4 : i32
      %mul3A_226 = arith.muli %scan3A_71, %mul3A_225 : i32
      %add3A_227 = arith.constant 2 : i32
      %add3A_228 = arith.addi %mul3A_226, %add3A_227 : i32
      %swap3A_229 = arith.index_cast %add3A_228 : i32 to index
      %swap3A_230 = arith.constant 16 : index
      %swap3A_231 = tpu.vector_load %arg7[%swap3A_229, %swap3A_230] {strides = array<i32>} : memref<256x128xf32, #tpu.memory_space<vmem>>, vector<1x16xf32>,
      %swap3A_232 = vector.shape_cast %swap3A_231 : vector<1x16xf32> to vector<16xf32>
      %swap3A_233 = vector.shape_cast %broadcast_in_dim3A_31 : vector<16xf32> to vector<1x16xf32>
      tpu.vector_store %arg7[%swap3A_229, %swap3A_230], %swap3A_233 {strides = array<i32>} : memref<256x128xf32, #tpu.memory_space<vmem>>, vector<1x16xf32>,
      %mul3A_234 = arith.constant 4 : i32
      %mul3A_235 = arith.muli %scan3A_71, %mul3A_234 : i32
      %add3A_236 = arith.constant 2 : i32
      %add3A_237 = arith.addi %mul3A_235, %add3A_236 : i32
      %swap3A_238 = arith.index_cast %add3A_237 : i32 to index
      %swap3A_239 = arith.constant 32 : index
      %swap3A_240 = tpu.vector_load %arg7[%swap3A_238, %swap3A_239] {strides = array<i32>} : memref<256x128xf32, #tpu.memory_space<vmem>>, vector<1x16xf32>,
      %swap3A_241 = vector.shape_cast %swap3A_240 : vector<1x16xf32> to vector<16xf32>
      %swap3A_242 = vector.shape_cast %broadcast_in_dim3A_31 : vector<16xf32> to vector<1x16xf32>
      tpu.vector_store %arg7[%swap3A_238, %swap3A_239], %swap3A_242 {strides = array<i32>} : memref<256x128xf32, #tpu.memory_space<vmem>>, vector<1x16xf32>,
      %mul3A_243 = arith.constant 4 : i32
      %mul3A_244 = arith.muli %scan3A_71, %mul3A_243 : i32
      %add3A_245 = arith.constant 2 : i32
      %add3A_246 = arith.addi %mul3A_244, %add3A_245 : i32
      %swap3A_247 = arith.index_cast %add3A_246 : i32 to index
      %swap3A_248 = arith.constant 48 : index
      %swap3A_249 = tpu.vector_load %arg7[%swap3A_247, %swap3A_248] {strides = array<i32>} : memref<256x128xf32, #tpu.memory_space<vmem>>, vector<1x16xf32>,
      %swap3A_250 = vector.shape_cast %swap3A_249 : vector<1x16xf32> to vector<16xf32>
      %swap3A_251 = vector.shape_cast %broadcast_in_dim3A_31 : vector<16xf32> to vector<1x16xf32>
      tpu.vector_store %arg7[%swap3A_247, %swap3A_248], %swap3A_251 {strides = array<i32>} : memref<256x128xf32, #tpu.memory_space<vmem>>, vector<1x16xf32>,
      %mul3A_252 = arith.constant 4 : i32
      %mul3A_253 = arith.muli %scan3A_71, %mul3A_252 : i32
      %add3A_254 = arith.constant 2 : i32
      %add3A_255 = arith.addi %mul3A_253, %add3A_254 : i32
      %swap3A_256 = arith.index_cast %add3A_255 : i32 to index
      %swap3A_257 = arith.constant 64 : index
      %swap3A_258 = tpu.vector_load %arg7[%swap3A_256, %swap3A_257] {strides = array<i32>} : memref<256x128xf32, #tpu.memory_space<vmem>>, vector<1x16xf32>,
      %swap3A_259 = vector.shape_cast %swap3A_258 : vector<1x16xf32> to vector<16xf32>
      %swap3A_260 = vector.shape_cast %broadcast_in_dim3A_31 : vector<16xf32> to vector<1x16xf32>
      tpu.vector_store %arg7[%swap3A_256, %swap3A_257], %swap3A_260 {strides = array<i32>} : memref<256x128xf32, #tpu.memory_space<vmem>>, vector<1x16xf32>,
      %mul3A_261 = arith.constant 4 : i32
      %mul3A_262 = arith.muli %scan3A_71, %mul3A_261 : i32
      %add3A_263 = arith.constant 2 : i32
      %add3A_264 = arith.addi %mul3A_262, %add3A_263 : i32
      %swap3A_265 = arith.index_cast %add3A_264 : i32 to index
      %swap3A_266 = arith.constant 80 : index
      %swap3A_267 = tpu.vector_load %arg7[%swap3A_265, %swap3A_266] {strides = array<i32>} : memref<256x128xf32, #tpu.memory_space<vmem>>, vector<1x16xf32>,
      %swap3A_268 = vector.shape_cast %swap3A_267 : vector<1x16xf32> to vector<16xf32>
      %swap3A_269 = vector.shape_cast %broadcast_in_dim3A_31 : vector<16xf32> to vector<1x16xf32>
      tpu.vector_store %arg7[%swap3A_265, %swap3A_266], %swap3A_269 {strides = array<i32>} : memref<256x128xf32, #tpu.memory_space<vmem>>, vector<1x16xf32>,
      %mul3A_270 = arith.constant 4 : i32
      %mul3A_271 = arith.muli %scan3A_71, %mul3A_270 : i32
      %add3A_272 = arith.constant 2 : i32
      %add3A_273 = arith.addi %mul3A_271, %add3A_272 : i32
      %swap3A_274 = arith.index_cast %add3A_273 : i32 to index
      %swap3A_275 = arith.constant 96 : index
      %swap3A_276 = tpu.vector_load %arg7[%swap3A_274, %swap3A_275] {strides = array<i32>} : memref<256x128xf32, #tpu.memory_space<vmem>>, vector<1x16xf32>,
      %swap3A_277 = vector.shape_cast %swap3A_276 : vector<1x16xf32> to vector<16xf32>
      %swap3A_278 = vector.shape_cast %broadcast_in_dim3A_31 : vector<16xf32> to vector<1x16xf32>
      tpu.vector_store %arg7[%swap3A_274, %swap3A_275], %swap3A_278 {strides = array<i32>} : memref<256x128xf32, #tpu.memory_space<vmem>>, vector<1x16xf32>,
      %mul3A_279 = arith.constant 4 : i32
      %mul3A_280 = arith.muli %scan3A_71, %mul3A_279 : i32
      %add3A_281 = arith.constant 2 : i32
      %add3A_282 = arith.addi %mul3A_280, %add3A_281 : i32
      %swap3A_283 = arith.index_cast %add3A_282 : i32 to index
      %swap3A_284 = arith.constant 112 : index
      %swap3A_285 = tpu.vector_load %arg7[%swap3A_283, %swap3A_284] {strides = array<i32>} : memref<256x128xf32, #tpu.memory_space<vmem>>, vector<1x16xf32>,
      %swap3A_286 = vector.shape_cast %swap3A_285 : vector<1x16xf32> to vector<16xf32>
      %swap3A_287 = vector.shape_cast %broadcast_in_dim3A_31 : vector<16xf32> to vector<1x16xf32>
      tpu.vector_store %arg7[%swap3A_283, %swap3A_284], %swap3A_287 {strides = array<i32>} : memref<256x128xf32, #tpu.memory_space<vmem>>, vector<1x16xf32>,
      %mul3A_288 = arith.constant 4 : i32
      %mul3A_289 = arith.muli %scan3A_71, %mul3A_288 : i32
      %add3A_290 = arith.constant 3 : i32
      %add3A_291 = arith.addi %mul3A_289, %add3A_290 : i32
      %swap3A_292 = arith.index_cast %add3A_291 : i32 to index
      %swap3A_293 = arith.constant 0 : index
      %swap3A_294 = tpu.vector_load %arg7[%swap3A_292, %swap3A_293] {strides = array<i32>} : memref<256x128xf32, #tpu.memory_space<vmem>>, vector<1x16xf32>,
      %swap3A_295 = vector.shape_cast %swap3A_294 : vector<1x16xf32> to vector<16xf32>
      %swap3A_296 = vector.shape_cast %broadcast_in_dim3A_31 : vector<16xf32> to vector<1x16xf32>
      tpu.vector_store %arg7[%swap3A_292, %swap3A_293], %swap3A_296 {strides = array<i32>} : memref<256x128xf32, #tpu.memory_space<vmem>>, vector<1x16xf32>,
      %mul3A_297 = arith.constant 4 : i32
      %mul3A_298 = arith.muli %scan3A_71, %mul3A_297 : i32
      %add3A_299 = arith.constant 3 : i32
      %add3A_300 = arith.addi %mul3A_298, %add3A_299 : i32
      %swap3A_301 = arith.index_cast %add3A_300 : i32 to index
      %swap3A_302 = arith.constant 16 : index
      %swap3A_303 = tpu.vector_load %arg7[%swap3A_301, %swap3A_302] {strides = array<i32>} : memref<256x128xf32, #tpu.memory_space<vmem>>, vector<1x16xf32>,
      %swap3A_304 = vector.shape_cast %swap3A_303 : vector<1x16xf32> to vector<16xf32>
      %swap3A_305 = vector.shape_cast %broadcast_in_dim3A_31 : vector<16xf32> to vector<1x16xf32>
      tpu.vector_store %arg7[%swap3A_301, %swap3A_302], %swap3A_305 {strides = array<i32>} : memref<256x128xf32, #tpu.memory_space<vmem>>, vector<1x16xf32>,
      %mul3A_306 = arith.constant 4 : i32
      %mul3A_307 = arith.muli %scan3A_71, %mul3A_306 : i32
      %add3A_308 = arith.constant 3 : i32
      %add3A_309 = arith.addi %mul3A_307, %add3A_308 : i32
      %swap3A_310 = arith.index_cast %add3A_309 : i32 to index
      %swap3A_311 = arith.constant 32 : index
      %swap3A_312 = tpu.vector_load %arg7[%swap3A_310, %swap3A_311] {strides = array<i32>} : memref<256x128xf32, #tpu.memory_space<vmem>>, vector<1x16xf32>,
      %swap3A_313 = vector.shape_cast %swap3A_312 : vector<1x16xf32> to vector<16xf32>
      %swap3A_314 = vector.shape_cast %broadcast_in_dim3A_31 : vector<16xf32> to vector<1x16xf32>
      tpu.vector_store %arg7[%swap3A_310, %swap3A_311], %swap3A_314 {strides = array<i32>} : memref<256x128xf32, #tpu.memory_space<vmem>>, vector<1x16xf32>,
      %mul3A_315 = arith.constant 4 : i32
      %mul3A_316 = arith.muli %scan3A_71, %mul3A_315 : i32
      %add3A_317 = arith.constant 3 : i32
      %add3A_318 = arith.addi %mul3A_316, %add3A_317 : i32
      %swap3A_319 = arith.index_cast %add3A_318 : i32 to index
      %swap3A_320 = arith.constant 48 : index
      %swap3A_321 = tpu.vector_load %arg7[%swap3A_319, %swap3A_320] {strides = array<i32>} : memref<256x128xf32, #tpu.memory_space<vmem>>, vector<1x16xf32>,
      %swap3A_322 = vector.shape_cast %swap3A_321 : vector<1x16xf32> to vector<16xf32>
      %swap3A_323 = vector.shape_cast %broadcast_in_dim3A_31 : vector<16xf32> to vector<1x16xf32>
      tpu.vector_store %arg7[%swap3A_319, %swap3A_320], %swap3A_323 {strides = array<i32>} : memref<256x128xf32, #tpu.memory_space<vmem>>, vector<1x16xf32>,
      %mul3A_324 = arith.constant 4 : i32
      %mul3A_325 = arith.muli %scan3A_71, %mul3A_324 : i32
      %add3A_326 = arith.constant 3 : i32
      %add3A_327 = arith.addi %mul3A_325, %add3A_326 : i32
      %swap3A_328 = arith.index_cast %add3A_327 : i32 to index
      %swap3A_329 = arith.constant 64 : index
      %swap3A_330 = tpu.vector_load %arg7[%swap3A_328, %swap3A_329] {strides = array<i32>} : memref<256x128xf32, #tpu.memory_space<vmem>>, vector<1x16xf32>,
      %swap3A_331 = vector.shape_cast %swap3A_330 : vector<1x16xf32> to vector<16xf32>
      %swap3A_332 = vector.shape_cast %broadcast_in_dim3A_31 : vector<16xf32> to vector<1x16xf32>
      tpu.vector_store %arg7[%swap3A_328, %swap3A_329], %swap3A_332 {strides = array<i32>} : memref<256x128xf32, #tpu.memory_space<vmem>>, vector<1x16xf32>,
      %mul3A_333 = arith.constant 4 : i32
      %mul3A_334 = arith.muli %scan3A_71, %mul3A_333 : i32
      %add3A_335 = arith.constant 3 : i32
      %add3A_336 = arith.addi %mul3A_334, %add3A_335 : i32
      %swap3A_337 = arith.index_cast %add3A_336 : i32 to index
      %swap3A_338 = arith.constant 80 : index
      %swap3A_339 = tpu.vector_load %arg7[%swap3A_337, %swap3A_338] {strides = array<i32>} : memref<256x128xf32, #tpu.memory_space<vmem>>, vector<1x16xf32>,
      %swap3A_340 = vector.shape_cast %swap3A_339 : vector<1x16xf32> to vector<16xf32>
      %swap3A_341 = vector.shape_cast %broadcast_in_dim3A_31 : vector<16xf32> to vector<1x16xf32>
      tpu.vector_store %arg7[%swap3A_337, %swap3A_338], %swap3A_341 {strides = array<i32>} : memref<256x128xf32, #tpu.memory_space<vmem>>, vector<1x16xf32>,
      %mul3A_342 = arith.constant 4 : i32
      %mul3A_343 = arith.muli %scan3A_71, %mul3A_342 : i32
      %add3A_344 = arith.constant 3 : i32
      %add3A_345 = arith.addi %mul3A_343, %add3A_344 : i32
      %swap3A_346 = arith.index_cast %add3A_345 : i32 to index
      %swap3A_347 = arith.constant 96 : index
      %swap3A_348 = tpu.vector_load %arg7[%swap3A_346, %swap3A_347] {strides = array<i32>} : memref<256x128xf32, #tpu.memory_space<vmem>>, vector<1x16xf32>,
      %swap3A_349 = vector.shape_cast %swap3A_348 : vector<1x16xf32> to vector<16xf32>
      %swap3A_350 = vector.shape_cast %broadcast_in_dim3A_31 : vector<16xf32> to vector<1x16xf32>
      tpu.vector_store %arg7[%swap3A_346, %swap3A_347], %swap3A_350 {strides = array<i32>} : memref<256x128xf32, #tpu.memory_space<vmem>>, vector<1x16xf32>,
      %mul3A_351 = arith.constant 4 : i32
      %mul3A_352 = arith.muli %scan3A_71, %mul3A_351 : i32
      %add3A_353 = arith.constant 3 : i32
      %add3A_354 = arith.addi %mul3A_352, %add3A_353 : i32
      %swap3A_355 = arith.index_cast %add3A_354 : i32 to index
      %swap3A_356 = arith.constant 112 : index
      %swap3A_357 = tpu.vector_load %arg7[%swap3A_355, %swap3A_356] {strides = array<i32>} : memref<256x128xf32, #tpu.memory_space<vmem>>, vector<1x16xf32>,
      %swap3A_358 = vector.shape_cast %swap3A_357 : vector<1x16xf32> to vector<16xf32>
      %swap3A_359 = vector.shape_cast %broadcast_in_dim3A_31 : vector<16xf32> to vector<1x16xf32>
      tpu.vector_store %arg7[%swap3A_355, %swap3A_356], %swap3A_359 {strides = array<i32>} : memref<256x128xf32, #tpu.memory_space<vmem>>, vector<1x16xf32>,
      %scan3A_360 = arith.constant 0 : i32
      scf.yield %scan3A_360 : i32
    }
    %scan3A_37 = arith.constant 64 : i32
    %mul3A_38 = arith.constant 4 : i32
    %mul3A_39 = arith.muli %select_n3A_28, %mul3A_38 : i32
    "tpu.region"() ({
      %run_scoped3A = tpu.sem_alloc : memref<!tpu.dma_semaphore, #tpu.memory_space<semaphore_mem>>
      %dma_start3A = arith.constant 0 : i32
      %dma_start3A_71 = tpu.memref_slice %arg2[%add3A_30, %mul3A_39, %dma_start3A] : memref<4x32x128xi32, #tpu.memory_space<hbm>> -> memref<1x4x128xi32, #tpu.memory_space<hbm>>
      %dma_start3A_72 = tpu.memref_squeeze %dma_start3A_71 : memref<1x4x128xi32, #tpu.memory_space<hbm>> -> memref<4x128xi32, #tpu.memory_space<hbm>>
      %dma_start3A_73 = arith.constant 0 : i32
      %dma_start3A_74 = tpu.memref_slice %arg2[%add3A_30, %mul3A_39, %dma_start3A_73] : memref<4x32x128xi32, #tpu.memory_space<hbm>> -> memref<1x4x128xi32, #tpu.memory_space<hbm>>
      %dma_start3A_75 = tpu.memref_squeeze %dma_start3A_74 : memref<1x4x128xi32, #tpu.memory_space<hbm>> -> memref<4x128xi32, #tpu.memory_space<hbm>>
      tpu.enqueue_dma source(%dma_start3A_75 : memref<4x128xi32, #tpu.memory_space<hbm>>) target(%arg5 : memref<4x128xi32, #tpu.memory_space<vmem>>) target_semaphore(%run_scoped3A : memref<!tpu.dma_semaphore, #tpu.memory_space<semaphore_mem>>)
      %dma_wait3A = arith.constant 0 : i32
      %dma_wait3A_76 = tpu.memref_slice %arg2[%add3A_30, %mul3A_39, %dma_wait3A] : memref<4x32x128xi32, #tpu.memory_space<hbm>> -> memref<1x4x128xi32, #tpu.memory_space<hbm>>
      %dma_wait3A_77 = tpu.memref_squeeze %dma_wait3A_76 : memref<1x4x128xi32, #tpu.memory_space<hbm>> -> memref<4x128xi32, #tpu.memory_space<hbm>>
      %dma_wait3A_78 = arith.constant 0 : i32
      %dma_wait3A_79 = tpu.memref_slice %arg2[%add3A_30, %mul3A_39, %dma_wait3A_78] : memref<4x32x128xi32, #tpu.memory_space<hbm>> -> memref<1x4x128xi32, #tpu.memory_space<hbm>>
      %dma_wait3A_80 = tpu.memref_squeeze %dma_wait3A_79 : memref<1x4x128xi32, #tpu.memory_space<hbm>> -> memref<4x128xi32, #tpu.memory_space<hbm>>
      tpu.wait_dma2 semaphore(%run_scoped3A : memref<!tpu.dma_semaphore, #tpu.memory_space<semaphore_mem>>) src(%dma_wait3A_80 : memref<4x128xi32, #tpu.memory_space<hbm>>) dst(%arg5 : memref<4x128xi32, #tpu.memory_space<vmem>>)
      tpu.yield
    }) : () -> ()
    %mul3A_40 = arith.constant 256 : i32
    %mul3A_41 = arith.muli %select_n3A_28, %mul3A_40 : i32
    "tpu.region"() ({
      %run_scoped3A = tpu.sem_alloc : memref<!tpu.dma_semaphore, #tpu.memory_space<semaphore_mem>>
      %dma_start3A = arith.constant 0 : i32
      %dma_start3A_71 = arith.constant 0 : i32
      %dma_start3A_72 = tpu.memref_slice %arg8[%select_n3A, %dma_start3A, %dma_start3A_71] : memref<2x2048x128xf32, #tpu.memory_space<vmem_shared>> -> memref<1x2048x128xf32, #tpu.memory_space<vmem_shared>>
      %dma_start3A_73 = tpu.memref_squeeze %dma_start3A_72 : memref<1x2048x128xf32, #tpu.memory_space<vmem_shared>> -> memref<2048x128xf32, #tpu.memory_space<vmem_shared>>
      %dma_start3A_74 = arith.constant 0 : i32
      %dma_start3A_75 = tpu.memref_slice %dma_start3A_73[%mul3A_41, %dma_start3A_74] : memref<2048x128xf32, #tpu.memory_space<vmem_shared>> -> memref<256x128xf32, #tpu.memory_space<vmem_shared>>
      %dma_start3A_76 = arith.constant 0 : i32
      %dma_start3A_77 = arith.constant 0 : i32
      %dma_start3A_78 = tpu.memref_slice %arg8[%select_n3A, %dma_start3A_76, %dma_start3A_77] : memref<2x2048x128xf32, #tpu.memory_space<vmem_shared>> -> memref<1x2048x128xf32, #tpu.memory_space<vmem_shared>>
      %dma_start3A_79 = tpu.memref_squeeze %dma_start3A_78 : memref<1x2048x128xf32, #tpu.memory_space<vmem_shared>> -> memref<2048x128xf32, #tpu.memory_space<vmem_shared>>
      %dma_start3A_80 = arith.constant 0 : i32
      %dma_start3A_81 = tpu.memref_slice %dma_start3A_79[%mul3A_41, %dma_start3A_80] : memref<2048x128xf32, #tpu.memory_space<vmem_shared>> -> memref<256x128xf32, #tpu.memory_space<vmem_shared>>
      tpu.enqueue_dma source(%arg7 : memref<256x128xf32, #tpu.memory_space<vmem>>) target(%dma_start3A_81 : memref<256x128xf32, #tpu.memory_space<vmem_shared>>) target_semaphore(%run_scoped3A : memref<!tpu.dma_semaphore, #tpu.memory_space<semaphore_mem>>)
      %dma_wait3A = arith.constant 0 : i32
      %dma_wait3A_82 = arith.constant 0 : i32
      %dma_wait3A_83 = tpu.memref_slice %arg8[%select_n3A, %dma_wait3A, %dma_wait3A_82] : memref<2x2048x128xf32, #tpu.memory_space<vmem_shared>> -> memref<1x2048x128xf32, #tpu.memory_space<vmem_shared>>
      %dma_wait3A_84 = tpu.memref_squeeze %dma_wait3A_83 : memref<1x2048x128xf32, #tpu.memory_space<vmem_shared>> -> memref<2048x128xf32, #tpu.memory_space<vmem_shared>>
      %dma_wait3A_85 = arith.constant 0 : i32
      %dma_wait3A_86 = tpu.memref_slice %dma_wait3A_84[%mul3A_41, %dma_wait3A_85] : memref<2048x128xf32, #tpu.memory_space<vmem_shared>> -> memref<256x128xf32, #tpu.memory_space<vmem_shared>>
      %dma_wait3A_87 = arith.constant 0 : i32
      %dma_wait3A_88 = arith.constant 0 : i32
      %dma_wait3A_89 = tpu.memref_slice %arg8[%select_n3A, %dma_wait3A_87, %dma_wait3A_88] : memref<2x2048x128xf32, #tpu.memory_space<vmem_shared>> -> memref<1x2048x128xf32, #tpu.memory_space<vmem_shared>>
      %dma_wait3A_90 = tpu.memref_squeeze %dma_wait3A_89 : memref<1x2048x128xf32, #tpu.memory_space<vmem_shared>> -> memref<2048x128xf32, #tpu.memory_space<vmem_shared>>
      %dma_wait3A_91 = arith.constant 0 : i32
      %dma_wait3A_92 = tpu.memref_slice %dma_wait3A_90[%mul3A_41, %dma_wait3A_91] : memref<2048x128xf32, #tpu.memory_space<vmem_shared>> -> memref<256x128xf32, #tpu.memory_space<vmem_shared>>
      tpu.wait_dma2 semaphore(%run_scoped3A : memref<!tpu.dma_semaphore, #tpu.memory_space<semaphore_mem>>) src(%arg7 : memref<256x128xf32, #tpu.memory_space<vmem>>) dst(%dma_wait3A_92 : memref<256x128xf32, #tpu.memory_space<vmem_shared>>)
      tpu.yield
    }) : () -> ()
    %barrier3A = arith.constant 0 : index
    tpu.barrier barrier_id(%barrier3A)
    %scan3A_42 = arith.constant 0 : i32
    %scan3A_43 = arith.constant 0 : i32
    %scan3A_44 = arith.constant 4 : i32
    %scan3A_45 = arith.addi %scan3A_43, %scan3A_44 : i32
    %scan3A_46 = arith.constant 1 : i32
    %scan3A_47 = scf.for %scan3A_71 = %scan3A_43 to %scan3A_45 step %scan3A_46 iter_args(%scan3A_72 = %scan3A_42) -> (i32)  : i32 {
      %mul3A_73 = arith.constant 512 : i32
      %mul3A_74 = arith.muli %select_n3A_28, %mul3A_73 : i32
      %mul3A_75 = arith.constant 128 : i32
      %mul3A_76 = arith.muli %scan3A_71, %mul3A_75 : i32
      %add3A_77 = arith.addi %mul3A_74, %mul3A_76 : i32
      "tpu.region"() ({
        %run_scoped3A = tpu.sem_alloc : memref<!tpu.dma_semaphore, #tpu.memory_space<semaphore_mem>>
        %dma_start3A = arith.constant 0 : i32
        %dma_start3A_79 = tpu.memref_slice %arg3[%add3A_30, %add3A_77, %dma_start3A] : memref<4x4096x256xf32, #tpu.memory_space<hbm>> -> memref<1x128x128xf32, #tpu.memory_space<hbm>>
        %dma_start3A_80 = tpu.memref_squeeze %dma_start3A_79 : memref<1x128x128xf32, #tpu.memory_space<hbm>> -> memref<128x128xf32, #tpu.memory_space<hbm>>
        %dma_start3A_81 = arith.constant 0 : i32
        %dma_start3A_82 = tpu.memref_slice %arg3[%add3A_30, %add3A_77, %dma_start3A_81] : memref<4x4096x256xf32, #tpu.memory_space<hbm>> -> memref<1x128x128xf32, #tpu.memory_space<hbm>>
        %dma_start3A_83 = tpu.memref_squeeze %dma_start3A_82 : memref<1x128x128xf32, #tpu.memory_space<hbm>> -> memref<128x128xf32, #tpu.memory_space<hbm>>
        tpu.enqueue_dma source(%dma_start3A_83 : memref<128x128xf32, #tpu.memory_space<hbm>>) target(%arg6 : memref<128x128xf32, #tpu.memory_space<vmem>>) target_semaphore(%run_scoped3A : memref<!tpu.dma_semaphore, #tpu.memory_space<semaphore_mem>>)
        %dma_wait3A = arith.constant 0 : i32
        %dma_wait3A_84 = tpu.memref_slice %arg3[%add3A_30, %add3A_77, %dma_wait3A] : memref<4x4096x256xf32, #tpu.memory_space<hbm>> -> memref<1x128x128xf32, #tpu.memory_space<hbm>>
        %dma_wait3A_85 = tpu.memref_squeeze %dma_wait3A_84 : memref<1x128x128xf32, #tpu.memory_space<hbm>> -> memref<128x128xf32, #tpu.memory_space<hbm>>
        %dma_wait3A_86 = arith.constant 0 : i32
        %dma_wait3A_87 = tpu.memref_slice %arg3[%add3A_30, %add3A_77, %dma_wait3A_86] : memref<4x4096x256xf32, #tpu.memory_space<hbm>> -> memref<1x128x128xf32, #tpu.memory_space<hbm>>
        %dma_wait3A_88 = tpu.memref_squeeze %dma_wait3A_87 : memref<1x128x128xf32, #tpu.memory_space<hbm>> -> memref<128x128xf32, #tpu.memory_space<hbm>>
        tpu.wait_dma2 semaphore(%run_scoped3A : memref<!tpu.dma_semaphore, #tpu.memory_space<semaphore_mem>>) src(%dma_wait3A_88 : memref<128x128xf32, #tpu.memory_space<hbm>>) dst(%arg6 : memref<128x128xf32, #tpu.memory_space<vmem>>)
        tpu.yield
      }) : () -> ()
      "tpu.region"() ({
        %run_scoped3A = tpu.sem_alloc : memref<!tpu.dma_semaphore, #tpu.memory_space<semaphore_mem>>
        %dma_start3A = arith.constant 0 : i32
        %dma_start3A_79 = tpu.memref_slice %arg5[%scan3A_71, %dma_start3A] : memref<4x128xi32, #tpu.memory_space<vmem>> -> memref<1x128xi32, #tpu.memory_space<vmem>>
        %dma_start3A_80 = tpu.memref_squeeze %dma_start3A_79 : memref<1x128xi32, #tpu.memory_space<vmem>> -> memref<128xi32, #tpu.memory_space<vmem>>
        %dma_start3A_81 = arith.constant 0 : i32
        %dma_start3A_82 = arith.constant 0 : i32
        %dma_start3A_83 = tpu.memref_slice %arg8[%select_n3A, %dma_start3A_81, %dma_start3A_82] : memref<2x2048x128xf32, #tpu.memory_space<vmem_shared>> -> memref<1x2048x128xf32, #tpu.memory_space<vmem_shared>>
        %dma_start3A_84 = tpu.memref_squeeze %dma_start3A_83 : memref<1x2048x128xf32, #tpu.memory_space<vmem_shared>> -> memref<2048x128xf32, #tpu.memory_space<vmem_shared>>
        %dma_start3A_85 = arith.constant 0 : i32
        %dma_start3A_86 = arith.constant 0 : i32
        %dma_start3A_87 = tpu.memref_slice %dma_start3A_84[%dma_start3A_85, %dma_start3A_86] : memref<2048x128xf32, #tpu.memory_space<vmem_shared>> -> memref<2048x128xf32, #tpu.memory_space<vmem_shared>>
        tpu.enqueue_indirect_dma source(%arg6 : memref<128x128xf32, #tpu.memory_space<vmem>>) target(%dma_start3A_87 : memref<2048x128xf32, #tpu.memory_space<vmem_shared>>) offsets(%dma_start3A_80 : memref<128xi32, #tpu.memory_space<vmem>>) semaphore(%run_scoped3A : memref<!tpu.dma_semaphore, #tpu.memory_space<semaphore_mem>>) {add = true}
        %dma_wait3A = arith.constant 0 : i32
        %dma_wait3A_88 = tpu.memref_slice %arg5[%scan3A_71, %dma_wait3A] : memref<4x128xi32, #tpu.memory_space<vmem>> -> memref<1x128xi32, #tpu.memory_space<vmem>>
        %dma_wait3A_89 = tpu.memref_squeeze %dma_wait3A_88 : memref<1x128xi32, #tpu.memory_space<vmem>> -> memref<128xi32, #tpu.memory_space<vmem>>
        %dma_wait3A_90 = arith.constant 0 : i32
        %dma_wait3A_91 = arith.constant 0 : i32
        %dma_wait3A_92 = tpu.memref_slice %arg8[%select_n3A, %dma_wait3A_90, %dma_wait3A_91] : memref<2x2048x128xf32, #tpu.memory_space<vmem_shared>> -> memref<1x2048x128xf32, #tpu.memory_space<vmem_shared>>
        %dma_wait3A_93 = tpu.memref_squeeze %dma_wait3A_92 : memref<1x2048x128xf32, #tpu.memory_space<vmem_shared>> -> memref<2048x128xf32, #tpu.memory_space<vmem_shared>>
        %dma_wait3A_94 = arith.constant 0 : i32
        %dma_wait3A_95 = arith.constant 0 : i32
        %dma_wait3A_96 = tpu.memref_slice %dma_wait3A_93[%dma_wait3A_94, %dma_wait3A_95] : memref<2048x128xf32, #tpu.memory_space<vmem_shared>> -> memref<2048x128xf32, #tpu.memory_space<vmem_shared>>
        tpu.wait_indirect_dma semaphore(%run_scoped3A : memref<!tpu.dma_semaphore, #tpu.memory_space<semaphore_mem>>) src(%arg6 : memref<128x128xf32, #tpu.memory_space<vmem>>) dst(%dma_wait3A_96 : memref<2048x128xf32, #tpu.memory_space<vmem_shared>>)
        tpu.yield
      }) : () -> ()
      %scan3A_78 = arith.constant 0 : i32
      scf.yield %scan3A_78 : i32
    }
    %scan3A_48 = arith.constant 4 : i32
    %barrier3A_49 = arith.constant 0 : index
    tpu.barrier barrier_id(%barrier3A_49)
    %mul3A_50 = arith.constant 256 : i32
    %mul3A_51 = arith.muli %select_n3A_28, %mul3A_50 : i32
    %mul3A_52 = arith.constant 256 : i32
    %mul3A_53 = arith.muli %select_n3A_28, %mul3A_52 : i32
    "tpu.region"() ({
      %run_scoped3A = tpu.sem_alloc : memref<!tpu.dma_semaphore, #tpu.memory_space<semaphore_mem>>
      %dma_start3A = arith.constant 0 : i32
      %dma_start3A_71 = tpu.memref_slice %arg4[%add3A_30, %mul3A_53, %dma_start3A] : memref<4x2048x256xf32, #tpu.memory_space<hbm>> -> memref<1x256x128xf32, #tpu.memory_space<hbm>>
      %dma_start3A_72 = tpu.memref_squeeze %dma_start3A_71 : memref<1x256x128xf32, #tpu.memory_space<hbm>> -> memref<256x128xf32, #tpu.memory_space<hbm>>
      %dma_start3A_73 = arith.constant 0 : i32
      %dma_start3A_74 = arith.constant 0 : i32
      %dma_start3A_75 = tpu.memref_slice %arg8[%select_n3A, %dma_start3A_73, %dma_start3A_74] : memref<2x2048x128xf32, #tpu.memory_space<vmem_shared>> -> memref<1x2048x128xf32, #tpu.memory_space<vmem_shared>>
      %dma_start3A_76 = tpu.memref_squeeze %dma_start3A_75 : memref<1x2048x128xf32, #tpu.memory_space<vmem_shared>> -> memref<2048x128xf32, #tpu.memory_space<vmem_shared>>
      %dma_start3A_77 = arith.constant 0 : i32
      %dma_start3A_78 = tpu.memref_slice %dma_start3A_76[%mul3A_51, %dma_start3A_77] : memref<2048x128xf32, #tpu.memory_space<vmem_shared>> -> memref<256x128xf32, #tpu.memory_space<vmem_shared>>
      tpu.enqueue_dma source(%dma_start3A_78 : memref<256x128xf32, #tpu.memory_space<vmem_shared>>) target(%dma_start3A_72 : memref<256x128xf32, #tpu.memory_space<hbm>>) target_semaphore(%run_scoped3A : memref<!tpu.dma_semaphore, #tpu.memory_space<semaphore_mem>>)
      %dma_wait3A = arith.constant 0 : i32
      %dma_wait3A_79 = tpu.memref_slice %arg4[%add3A_30, %mul3A_53, %dma_wait3A] : memref<4x2048x256xf32, #tpu.memory_space<hbm>> -> memref<1x256x128xf32, #tpu.memory_space<hbm>>
      %dma_wait3A_80 = tpu.memref_squeeze %dma_wait3A_79 : memref<1x256x128xf32, #tpu.memory_space<hbm>> -> memref<256x128xf32, #tpu.memory_space<hbm>>
      %dma_wait3A_81 = arith.constant 0 : i32
      %dma_wait3A_82 = arith.constant 0 : i32
      %dma_wait3A_83 = tpu.memref_slice %arg8[%select_n3A, %dma_wait3A_81, %dma_wait3A_82] : memref<2x2048x128xf32, #tpu.memory_space<vmem_shared>> -> memref<1x2048x128xf32, #tpu.memory_space<vmem_shared>>
      %dma_wait3A_84 = tpu.memref_squeeze %dma_wait3A_83 : memref<1x2048x128xf32, #tpu.memory_space<vmem_shared>> -> memref<2048x128xf32, #tpu.memory_space<vmem_shared>>
      %dma_wait3A_85 = arith.constant 0 : i32
      %dma_wait3A_86 = tpu.memref_slice %dma_wait3A_84[%mul3A_51, %dma_wait3A_85] : memref<2048x128xf32, #tpu.memory_space<vmem_shared>> -> memref<256x128xf32, #tpu.memory_space<vmem_shared>>
      tpu.wait_dma2 semaphore(%run_scoped3A : memref<!tpu.dma_semaphore, #tpu.memory_space<semaphore_mem>>) src(%dma_wait3A_86 : memref<256x128xf32, #tpu.memory_space<vmem_shared>>) dst(%dma_wait3A_80 : memref<256x128xf32, #tpu.memory_space<hbm>>)
      tpu.yield
    }) : () -> ()
    %barrier3A_54 = arith.constant 0 : index
    tpu.barrier barrier_id(%barrier3A_54)
    %mul3A_55 = arith.constant 256 : i32
    %mul3A_56 = arith.muli %select_n3A_28, %mul3A_55 : i32
    "tpu.region"() ({
      %run_scoped3A = tpu.sem_alloc : memref<!tpu.dma_semaphore, #tpu.memory_space<semaphore_mem>>
      %dma_start3A = arith.constant 0 : i32
      %dma_start3A_71 = arith.constant 0 : i32
      %dma_start3A_72 = tpu.memref_slice %arg8[%select_n3A, %dma_start3A, %dma_start3A_71] : memref<2x2048x128xf32, #tpu.memory_space<vmem_shared>> -> memref<1x2048x128xf32, #tpu.memory_space<vmem_shared>>
      %dma_start3A_73 = tpu.memref_squeeze %dma_start3A_72 : memref<1x2048x128xf32, #tpu.memory_space<vmem_shared>> -> memref<2048x128xf32, #tpu.memory_space<vmem_shared>>
      %dma_start3A_74 = arith.constant 0 : i32
      %dma_start3A_75 = tpu.memref_slice %dma_start3A_73[%mul3A_56, %dma_start3A_74] : memref<2048x128xf32, #tpu.memory_space<vmem_shared>> -> memref<256x128xf32, #tpu.memory_space<vmem_shared>>
      %dma_start3A_76 = arith.constant 0 : i32
      %dma_start3A_77 = arith.constant 0 : i32
      %dma_start3A_78 = tpu.memref_slice %arg8[%select_n3A, %dma_start3A_76, %dma_start3A_77] : memref<2x2048x128xf32, #tpu.memory_space<vmem_shared>> -> memref<1x2048x128xf32, #tpu.memory_space<vmem_shared>>
      %dma_start3A_79 = tpu.memref_squeeze %dma_start3A_78 : memref<1x2048x128xf32, #tpu.memory_space<vmem_shared>> -> memref<2048x128xf32, #tpu.memory_space<vmem_shared>>
      %dma_start3A_80 = arith.constant 0 : i32
      %dma_start3A_81 = tpu.memref_slice %dma_start3A_79[%mul3A_56, %dma_start3A_80] : memref<2048x128xf32, #tpu.memory_space<vmem_shared>> -> memref<256x128xf32, #tpu.memory_space<vmem_shared>>
      tpu.enqueue_dma source(%arg7 : memref<256x128xf32, #tpu.memory_space<vmem>>) target(%dma_start3A_81 : memref<256x128xf32, #tpu.memory_space<vmem_shared>>) target_semaphore(%run_scoped3A : memref<!tpu.dma_semaphore, #tpu.memory_space<semaphore_mem>>)
      %dma_wait3A = arith.constant 0 : i32
      %dma_wait3A_82 = arith.constant 0 : i32
      %dma_wait3A_83 = tpu.memref_slice %arg8[%select_n3A, %dma_wait3A, %dma_wait3A_82] : memref<2x2048x128xf32, #tpu.memory_space<vmem_shared>> -> memref<1x2048x128xf32, #tpu.memory_space<vmem_shared>>
      %dma_wait3A_84 = tpu.memref_squeeze %dma_wait3A_83 : memref<1x2048x128xf32, #tpu.memory_space<vmem_shared>> -> memref<2048x128xf32, #tpu.memory_space<vmem_shared>>
      %dma_wait3A_85 = arith.constant 0 : i32
      %dma_wait3A_86 = tpu.memref_slice %dma_wait3A_84[%mul3A_56, %dma_wait3A_85] : memref<2048x128xf32, #tpu.memory_space<vmem_shared>> -> memref<256x128xf32, #tpu.memory_space<vmem_shared>>
      %dma_wait3A_87 = arith.constant 0 : i32
      %dma_wait3A_88 = arith.constant 0 : i32
      %dma_wait3A_89 = tpu.memref_slice %arg8[%select_n3A, %dma_wait3A_87, %dma_wait3A_88] : memref<2x2048x128xf32, #tpu.memory_space<vmem_shared>> -> memref<1x2048x128xf32, #tpu.memory_space<vmem_shared>>
      %dma_wait3A_90 = tpu.memref_squeeze %dma_wait3A_89 : memref<1x2048x128xf32, #tpu.memory_space<vmem_shared>> -> memref<2048x128xf32, #tpu.memory_space<vmem_shared>>
      %dma_wait3A_91 = arith.constant 0 : i32
      %dma_wait3A_92 = tpu.memref_slice %dma_wait3A_90[%mul3A_56, %dma_wait3A_91] : memref<2048x128xf32, #tpu.memory_space<vmem_shared>> -> memref<256x128xf32, #tpu.memory_space<vmem_shared>>
      tpu.wait_dma2 semaphore(%run_scoped3A : memref<!tpu.dma_semaphore, #tpu.memory_space<semaphore_mem>>) src(%arg7 : memref<256x128xf32, #tpu.memory_space<vmem>>) dst(%dma_wait3A_92 : memref<256x128xf32, #tpu.memory_space<vmem_shared>>)
      tpu.yield
    }) : () -> ()
    %barrier3A_57 = arith.constant 0 : index
    tpu.barrier barrier_id(%barrier3A_57)
    %scan3A_58 = arith.constant 0 : i32
    %scan3A_59 = arith.constant 0 : i32
    %scan3A_60 = arith.constant 4 : i32
    %scan3A_61 = arith.addi %scan3A_59, %scan3A_60 : i32
    %scan3A_62 = arith.constant 1 : i32
    %scan3A_63 = scf.for %scan3A_71 = %scan3A_59 to %scan3A_61 step %scan3A_62 iter_args(%scan3A_72 = %scan3A_58) -> (i32)  : i32 {
      %mul3A_73 = arith.constant 512 : i32
      %mul3A_74 = arith.muli %select_n3A_28, %mul3A_73 : i32
      %mul3A_75 = arith.constant 128 : i32
      %mul3A_76 = arith.muli %scan3A_71, %mul3A_75 : i32
      %add3A_77 = arith.addi %mul3A_74, %mul3A_76 : i32
      "tpu.region"() ({
        %run_scoped3A = tpu.sem_alloc : memref<!tpu.dma_semaphore, #tpu.memory_space<semaphore_mem>>
        %dma_start3A = arith.constant 128 : i32
        %dma_start3A_79 = tpu.memref_slice %arg3[%add3A_30, %add3A_77, %dma_start3A] : memref<4x4096x256xf32, #tpu.memory_space<hbm>> -> memref<1x128x128xf32, #tpu.memory_space<hbm>>
        %dma_start3A_80 = tpu.memref_squeeze %dma_start3A_79 : memref<1x128x128xf32, #tpu.memory_space<hbm>> -> memref<128x128xf32, #tpu.memory_space<hbm>>
        %dma_start3A_81 = arith.constant 128 : i32
        %dma_start3A_82 = tpu.memref_slice %arg3[%add3A_30, %add3A_77, %dma_start3A_81] : memref<4x4096x256xf32, #tpu.memory_space<hbm>> -> memref<1x128x128xf32, #tpu.memory_space<hbm>>
        %dma_start3A_83 = tpu.memref_squeeze %dma_start3A_82 : memref<1x128x128xf32, #tpu.memory_space<hbm>> -> memref<128x128xf32, #tpu.memory_space<hbm>>
        tpu.enqueue_dma source(%dma_start3A_83 : memref<128x128xf32, #tpu.memory_space<hbm>>) target(%arg6 : memref<128x128xf32, #tpu.memory_space<vmem>>) target_semaphore(%run_scoped3A : memref<!tpu.dma_semaphore, #tpu.memory_space<semaphore_mem>>)
        %dma_wait3A = arith.constant 128 : i32
        %dma_wait3A_84 = tpu.memref_slice %arg3[%add3A_30, %add3A_77, %dma_wait3A] : memref<4x4096x256xf32, #tpu.memory_space<hbm>> -> memref<1x128x128xf32, #tpu.memory_space<hbm>>
        %dma_wait3A_85 = tpu.memref_squeeze %dma_wait3A_84 : memref<1x128x128xf32, #tpu.memory_space<hbm>> -> memref<128x128xf32, #tpu.memory_space<hbm>>
        %dma_wait3A_86 = arith.constant 128 : i32
        %dma_wait3A_87 = tpu.memref_slice %arg3[%add3A_30, %add3A_77, %dma_wait3A_86] : memref<4x4096x256xf32, #tpu.memory_space<hbm>> -> memref<1x128x128xf32, #tpu.memory_space<hbm>>
        %dma_wait3A_88 = tpu.memref_squeeze %dma_wait3A_87 : memref<1x128x128xf32, #tpu.memory_space<hbm>> -> memref<128x128xf32, #tpu.memory_space<hbm>>
        tpu.wait_dma2 semaphore(%run_scoped3A : memref<!tpu.dma_semaphore, #tpu.memory_space<semaphore_mem>>) src(%dma_wait3A_88 : memref<128x128xf32, #tpu.memory_space<hbm>>) dst(%arg6 : memref<128x128xf32, #tpu.memory_space<vmem>>)
        tpu.yield
      }) : () -> ()
      "tpu.region"() ({
        %run_scoped3A = tpu.sem_alloc : memref<!tpu.dma_semaphore, #tpu.memory_space<semaphore_mem>>
        %dma_start3A = arith.constant 0 : i32
        %dma_start3A_79 = tpu.memref_slice %arg5[%scan3A_71, %dma_start3A] : memref<4x128xi32, #tpu.memory_space<vmem>> -> memref<1x128xi32, #tpu.memory_space<vmem>>
        %dma_start3A_80 = tpu.memref_squeeze %dma_start3A_79 : memref<1x128xi32, #tpu.memory_space<vmem>> -> memref<128xi32, #tpu.memory_space<vmem>>
        %dma_start3A_81 = arith.constant 0 : i32
        %dma_start3A_82 = arith.constant 0 : i32
        %dma_start3A_83 = tpu.memref_slice %arg8[%select_n3A, %dma_start3A_81, %dma_start3A_82] : memref<2x2048x128xf32, #tpu.memory_space<vmem_shared>> -> memref<1x2048x128xf32, #tpu.memory_space<vmem_shared>>
        %dma_start3A_84 = tpu.memref_squeeze %dma_start3A_83 : memref<1x2048x128xf32, #tpu.memory_space<vmem_shared>> -> memref<2048x128xf32, #tpu.memory_space<vmem_shared>>
        %dma_start3A_85 = arith.constant 0 : i32
        %dma_start3A_86 = arith.constant 0 : i32
        %dma_start3A_87 = tpu.memref_slice %dma_start3A_84[%dma_start3A_85, %dma_start3A_86] : memref<2048x128xf32, #tpu.memory_space<vmem_shared>> -> memref<2048x128xf32, #tpu.memory_space<vmem_shared>>
        tpu.enqueue_indirect_dma source(%arg6 : memref<128x128xf32, #tpu.memory_space<vmem>>) target(%dma_start3A_87 : memref<2048x128xf32, #tpu.memory_space<vmem_shared>>) offsets(%dma_start3A_80 : memref<128xi32, #tpu.memory_space<vmem>>) semaphore(%run_scoped3A : memref<!tpu.dma_semaphore, #tpu.memory_space<semaphore_mem>>) {add = true}
        %dma_wait3A = arith.constant 0 : i32
        %dma_wait3A_88 = tpu.memref_slice %arg5[%scan3A_71, %dma_wait3A] : memref<4x128xi32, #tpu.memory_space<vmem>> -> memref<1x128xi32, #tpu.memory_space<vmem>>
        %dma_wait3A_89 = tpu.memref_squeeze %dma_wait3A_88 : memref<1x128xi32, #tpu.memory_space<vmem>> -> memref<128xi32, #tpu.memory_space<vmem>>
        %dma_wait3A_90 = arith.constant 0 : i32
        %dma_wait3A_91 = arith.constant 0 : i32
        %dma_wait3A_92 = tpu.memref_slice %arg8[%select_n3A, %dma_wait3A_90, %dma_wait3A_91] : memref<2x2048x128xf32, #tpu.memory_space<vmem_shared>> -> memref<1x2048x128xf32, #tpu.memory_space<vmem_shared>>
        %dma_wait3A_93 = tpu.memref_squeeze %dma_wait3A_92 : memref<1x2048x128xf32, #tpu.memory_space<vmem_shared>> -> memref<2048x128xf32, #tpu.memory_space<vmem_shared>>
        %dma_wait3A_94 = arith.constant 0 : i32
        %dma_wait3A_95 = arith.constant 0 : i32
        %dma_wait3A_96 = tpu.memref_slice %dma_wait3A_93[%dma_wait3A_94, %dma_wait3A_95] : memref<2048x128xf32, #tpu.memory_space<vmem_shared>> -> memref<2048x128xf32, #tpu.memory_space<vmem_shared>>
        tpu.wait_indirect_dma semaphore(%run_scoped3A : memref<!tpu.dma_semaphore, #tpu.memory_space<semaphore_mem>>) src(%arg6 : memref<128x128xf32, #tpu.memory_space<vmem>>) dst(%dma_wait3A_96 : memref<2048x128xf32, #tpu.memory_space<vmem_shared>>)
        tpu.yield
      }) : () -> ()
      %scan3A_78 = arith.constant 0 : i32
      scf.yield %scan3A_78 : i32
    }
    %scan3A_64 = arith.constant 4 : i32
    %barrier3A_65 = arith.constant 0 : index
    tpu.barrier barrier_id(%barrier3A_65)
    %mul3A_66 = arith.constant 256 : i32
    %mul3A_67 = arith.muli %select_n3A_28, %mul3A_66 : i32
    %mul3A_68 = arith.constant 256 : i32
    %mul3A_69 = arith.muli %select_n3A_28, %mul3A_68 : i32
    "tpu.region"() ({
      %run_scoped3A = tpu.sem_alloc : memref<!tpu.dma_semaphore, #tpu.memory_space<semaphore_mem>>
      %dma_start3A = arith.constant 128 : i32
      %dma_start3A_71 = tpu.memref_slice %arg4[%add3A_30, %mul3A_69, %dma_start3A] : memref<4x2048x256xf32, #tpu.memory_space<hbm>> -> memref<1x256x128xf32, #tpu.memory_space<hbm>>
      %dma_start3A_72 = tpu.memref_squeeze %dma_start3A_71 : memref<1x256x128xf32, #tpu.memory_space<hbm>> -> memref<256x128xf32, #tpu.memory_space<hbm>>
      %dma_start3A_73 = arith.constant 0 : i32
      %dma_start3A_74 = arith.constant 0 : i32
      %dma_start3A_75 = tpu.memref_slice %arg8[%select_n3A, %dma_start3A_73, %dma_start3A_74] : memref<2x2048x128xf32, #tpu.memory_space<vmem_shared>> -> memref<1x2048x128xf32, #tpu.memory_space<vmem_shared>>
      %dma_start3A_76 = tpu.memref_squeeze %dma_start3A_75 : memref<1x2048x128xf32, #tpu.memory_space<vmem_shared>> -> memref<2048x128xf32, #tpu.memory_space<vmem_shared>>
      %dma_start3A_77 = arith.constant 0 : i32
      %dma_start3A_78 = tpu.memref_slice %dma_start3A_76[%mul3A_67, %dma_start3A_77] : memref<2048x128xf32, #tpu.memory_space<vmem_shared>> -> memref<256x128xf32, #tpu.memory_space<vmem_shared>>
      tpu.enqueue_dma source(%dma_start3A_78 : memref<256x128xf32, #tpu.memory_space<vmem_shared>>) target(%dma_start3A_72 : memref<256x128xf32, #tpu.memory_space<hbm>>) target_semaphore(%run_scoped3A : memref<!tpu.dma_semaphore, #tpu.memory_space<semaphore_mem>>)
      %dma_wait3A = arith.constant 128 : i32
      %dma_wait3A_79 = tpu.memref_slice %arg4[%add3A_30, %mul3A_69, %dma_wait3A] : memref<4x2048x256xf32, #tpu.memory_space<hbm>> -> memref<1x256x128xf32, #tpu.memory_space<hbm>>
      %dma_wait3A_80 = tpu.memref_squeeze %dma_wait3A_79 : memref<1x256x128xf32, #tpu.memory_space<hbm>> -> memref<256x128xf32, #tpu.memory_space<hbm>>
      %dma_wait3A_81 = arith.constant 0 : i32
      %dma_wait3A_82 = arith.constant 0 : i32
      %dma_wait3A_83 = tpu.memref_slice %arg8[%select_n3A, %dma_wait3A_81, %dma_wait3A_82] : memref<2x2048x128xf32, #tpu.memory_space<vmem_shared>> -> memref<1x2048x128xf32, #tpu.memory_space<vmem_shared>>
      %dma_wait3A_84 = tpu.memref_squeeze %dma_wait3A_83 : memref<1x2048x128xf32, #tpu.memory_space<vmem_shared>> -> memref<2048x128xf32, #tpu.memory_space<vmem_shared>>
      %dma_wait3A_85 = arith.constant 0 : i32
      %dma_wait3A_86 = tpu.memref_slice %dma_wait3A_84[%mul3A_67, %dma_wait3A_85] : memref<2048x128xf32, #tpu.memory_space<vmem_shared>> -> memref<256x128xf32, #tpu.memory_space<vmem_shared>>
      tpu.wait_dma2 semaphore(%run_scoped3A : memref<!tpu.dma_semaphore, #tpu.memory_space<semaphore_mem>>) src(%dma_wait3A_86 : memref<256x128xf32, #tpu.memory_space<vmem_shared>>) dst(%dma_wait3A_80 : memref<256x128xf32, #tpu.memory_space<hbm>>)
      tpu.yield
    }) : () -> ()
    %barrier3A_70 = arith.constant 0 : index
    tpu.barrier barrier_id(%barrier3A_70)
    return
  }
}

#map = affine_map<(d0, d1) -> (0, 0, 0)>
module attributes {stable_mosaic.version = 14 : i64} {
  func.func @_sc_scatter_body(%arg0: i32, %arg1: i32, %arg2: memref<4x32x128xi32, #tpu.memory_space<hbm>>, %arg3: memref<4x4096x256xf32, #tpu.memory_space<hbm>>, %arg4: memref<4x2048x256xf32, #tpu.memory_space<hbm>>, %arg5: memref<4x128xi32, #tpu.memory_space<vmem>>, %arg6: memref<128x128xf32, #tpu.memory_space<vmem>>, %arg7: memref<256x128xf32, #tpu.memory_space<vmem>>, %arg8: memref<2x2048x128xf32, #tpu.memory_space<vmem_shared>>) attributes {dimension_semantics = [#tpu.dimension_semantics<core_parallel>, #tpu.dimension_semantics<subcore_parallel>], iteration_bounds = array<i64: 2, 16>, scalar_prefetch = 0 : i64, scratch_operands = 4 : i64, tpu.core_type = #tpu.core_type<sc_vector_subcore>, window_params = [{transform_indices = #map}, {transform_indices = #map}, {transform_indices = #map}]} {
    %jit3A = arith.constant 8 : i32
    %div3A = arith.divsi %arg1, %jit3A : i32
    %sign3A = arith.constant 0 : i32
    %sign3A_0 = arith.cmpi sgt, %arg1, %sign3A : i32
    %sign3A_1 = arith.extui %sign3A_0 : i1 to i32
    %sign3A_2 = arith.constant 0 : i32
    %sign3A_3 = arith.cmpi slt, %arg1, %sign3A_2 : i32
    %sign3A_4 = arith.extui %sign3A_3 : i1 to i32
    %sign3A_5 = arith.subi %sign3A_1, %sign3A_4 : i32
    %sign3A_6 = arith.constant 0 : i32
    %sign3A_7 = arith.cmpi sgt, %jit3A, %sign3A_6 : i32
    %sign3A_8 = arith.extui %sign3A_7 : i1 to i32
    %sign3A_9 = arith.constant 0 : i32
    %sign3A_10 = arith.cmpi slt, %jit3A, %sign3A_9 : i32
    %sign3A_11 = arith.extui %sign3A_10 : i1 to i32
    %sign3A_12 = arith.subi %sign3A_8, %sign3A_11 : i32
    %ne3A = arith.cmpi ne, %sign3A_5, %sign3A_12 : i32
    %rem3A = arith.remsi %arg1, %jit3A : i32
    %ne3A_13 = arith.constant 0 : i32
    %ne3A_14 = arith.cmpi ne, %rem3A, %ne3A_13 : i32
    %and3A = arith.andi %ne3A, %ne3A_14 : i1
    %sub3A = arith.constant 1 : i32
    %sub3A_15 = arith.subi %div3A, %sub3A : i32
    %select_n3A = arith.select %and3A, %sub3A_15, %div3A : i32
    %jit3A_16 = arith.constant 8 : i32
    %eq3A = arith.constant 0 : i32
    %eq3A_17 = arith.cmpi eq, %jit3A_16, %eq3A : i32
    %jit3A_18 = arith.constant 1 : i32
    %select_n3A_19 = arith.select %eq3A_17, %jit3A_18, %jit3A_16 : i32
    %rem3A_20 = arith.remsi %arg1, %select_n3A_19 : i32
    %ne3A_21 = arith.constant 0 : i32
    %ne3A_22 = arith.cmpi ne, %rem3A_20, %ne3A_21 : i32
    %lt3A = arith.constant 0 : i32
    %lt3A_23 = arith.cmpi slt, %rem3A_20, %lt3A : i32
    %lt3A_24 = arith.constant 0 : i32
    %lt3A_25 = arith.cmpi slt, %select_n3A_19, %lt3A_24 : i32
    %ne3A_26 = arith.xori %lt3A_23, %lt3A_25 : i1
    %and3A_27 = arith.andi %ne3A_26, %ne3A_22 : i1
    %add3A = arith.addi %rem3A_20, %select_n3A_19 : i32
    %select_n3A_28 = arith.select %and3A_27, %add3A, %rem3A_20 : i32
    %mul3A = arith.constant 2 : i32
    %mul3A_29 = arith.muli %arg0, %mul3A : i32
    %add3A_30 = arith.addi %mul3A_29, %select_n3A : i32
    %broadcast_in_dim3A = arith.constant 0.000000e+00 : f32
    %broadcast_in_dim3A_31 = vector.broadcast %broadcast_in_dim3A : f32 to vector<16xf32>
    %scan3A = arith.constant 0 : i32
    %scan3A_32 = arith.constant 0 : i32
    %scan3A_33 = arith.constant 64 : i32
    %scan3A_34 = arith.addi %scan3A_32, %scan3A_33 : i32
    %scan3A_35 = arith.constant 1 : i32
    %scan3A_36 = scf.for %scan3A_71 = %scan3A_32 to %scan3A_34 step %scan3A_35 iter_args(%scan3A_72 = %scan3A) -> (i32)  : i32 {
      %mul3A_73 = arith.constant 4 : i32
      %mul3A_74 = arith.muli %scan3A_71, %mul3A_73 : i32
      %add3A_75 = arith.constant 0 : i32
      %add3A_76 = arith.addi %mul3A_74, %add3A_75 : i32
      %swap3A = arith.index_cast %add3A_76 : i32 to index
      %swap3A_77 = arith.constant 0 : index
      %swap3A_78 = tpu.vector_load %arg7[%swap3A, %swap3A_77] {strides = array<i32>} : memref<256x128xf32, #tpu.memory_space<vmem>>, vector<1x16xf32>,
      %swap3A_79 = vector.shape_cast %swap3A_78 : vector<1x16xf32> to vector<16xf32>
      %swap3A_80 = vector.shape_cast %broadcast_in_dim3A_31 : vector<16xf32> to vector<1x16xf32>
      tpu.vector_store %arg7[%swap3A, %swap3A_77], %swap3A_80 {strides = array<i32>} : memref<256x128xf32, #tpu.memory_space<vmem>>, vector<1x16xf32>,
      %mul3A_81 = arith.constant 4 : i32
      %mul3A_82 = arith.muli %scan3A_71, %mul3A_81 : i32
      %add3A_83 = arith.constant 0 : i32
      %add3A_84 = arith.addi %mul3A_82, %add3A_83 : i32
      %swap3A_85 = arith.index_cast %add3A_84 : i32 to index
      %swap3A_86 = arith.constant 16 : index
      %swap3A_87 = tpu.vector_load %arg7[%swap3A_85, %swap3A_86] {strides = array<i32>} : memref<256x128xf32, #tpu.memory_space<vmem>>, vector<1x16xf32>,
      %swap3A_88 = vector.shape_cast %swap3A_87 : vector<1x16xf32> to vector<16xf32>
      %swap3A_89 = vector.shape_cast %broadcast_in_dim3A_31 : vector<16xf32> to vector<1x16xf32>
      tpu.vector_store %arg7[%swap3A_85, %swap3A_86], %swap3A_89 {strides = array<i32>} : memref<256x128xf32, #tpu.memory_space<vmem>>, vector<1x16xf32>,
      %mul3A_90 = arith.constant 4 : i32
      %mul3A_91 = arith.muli %scan3A_71, %mul3A_90 : i32
      %add3A_92 = arith.constant 0 : i32
      %add3A_93 = arith.addi %mul3A_91, %add3A_92 : i32
      %swap3A_94 = arith.index_cast %add3A_93 : i32 to index
      %swap3A_95 = arith.constant 32 : index
      %swap3A_96 = tpu.vector_load %arg7[%swap3A_94, %swap3A_95] {strides = array<i32>} : memref<256x128xf32, #tpu.memory_space<vmem>>, vector<1x16xf32>,
      %swap3A_97 = vector.shape_cast %swap3A_96 : vector<1x16xf32> to vector<16xf32>
      %swap3A_98 = vector.shape_cast %broadcast_in_dim3A_31 : vector<16xf32> to vector<1x16xf32>
      tpu.vector_store %arg7[%swap3A_94, %swap3A_95], %swap3A_98 {strides = array<i32>} : memref<256x128xf32, #tpu.memory_space<vmem>>, vector<1x16xf32>,
      %mul3A_99 = arith.constant 4 : i32
      %mul3A_100 = arith.muli %scan3A_71, %mul3A_99 : i32
      %add3A_101 = arith.constant 0 : i32
      %add3A_102 = arith.addi %mul3A_100, %add3A_101 : i32
      %swap3A_103 = arith.index_cast %add3A_102 : i32 to index
      %swap3A_104 = arith.constant 48 : index
      %swap3A_105 = tpu.vector_load %arg7[%swap3A_103, %swap3A_104] {strides = array<i32>} : memref<256x128xf32, #tpu.memory_space<vmem>>, vector<1x16xf32>,
      %swap3A_106 = vector.shape_cast %swap3A_105 : vector<1x16xf32> to vector<16xf32>
      %swap3A_107 = vector.shape_cast %broadcast_in_dim3A_31 : vector<16xf32> to vector<1x16xf32>
      tpu.vector_store %arg7[%swap3A_103, %swap3A_104], %swap3A_107 {strides = array<i32>} : memref<256x128xf32, #tpu.memory_space<vmem>>, vector<1x16xf32>,
      %mul3A_108 = arith.constant 4 : i32
      %mul3A_109 = arith.muli %scan3A_71, %mul3A_108 : i32
      %add3A_110 = arith.constant 0 : i32
      %add3A_111 = arith.addi %mul3A_109, %add3A_110 : i32
      %swap3A_112 = arith.index_cast %add3A_111 : i32 to index
      %swap3A_113 = arith.constant 64 : index
      %swap3A_114 = tpu.vector_load %arg7[%swap3A_112, %swap3A_113] {strides = array<i32>} : memref<256x128xf32, #tpu.memory_space<vmem>>, vector<1x16xf32>,
      %swap3A_115 = vector.shape_cast %swap3A_114 : vector<1x16xf32> to vector<16xf32>
      %swap3A_116 = vector.shape_cast %broadcast_in_dim3A_31 : vector<16xf32> to vector<1x16xf32>
      tpu.vector_store %arg7[%swap3A_112, %swap3A_113], %swap3A_116 {strides = array<i32>} : memref<256x128xf32, #tpu.memory_space<vmem>>, vector<1x16xf32>,
      %mul3A_117 = arith.constant 4 : i32
      %mul3A_118 = arith.muli %scan3A_71, %mul3A_117 : i32
      %add3A_119 = arith.constant 0 : i32
      %add3A_120 = arith.addi %mul3A_118, %add3A_119 : i32
      %swap3A_121 = arith.index_cast %add3A_120 : i32 to index
      %swap3A_122 = arith.constant 80 : index
      %swap3A_123 = tpu.vector_load %arg7[%swap3A_121, %swap3A_122] {strides = array<i32>} : memref<256x128xf32, #tpu.memory_space<vmem>>, vector<1x16xf32>,
      %swap3A_124 = vector.shape_cast %swap3A_123 : vector<1x16xf32> to vector<16xf32>
      %swap3A_125 = vector.shape_cast %broadcast_in_dim3A_31 : vector<16xf32> to vector<1x16xf32>
      tpu.vector_store %arg7[%swap3A_121, %swap3A_122], %swap3A_125 {strides = array<i32>} : memref<256x128xf32, #tpu.memory_space<vmem>>, vector<1x16xf32>,
      %mul3A_126 = arith.constant 4 : i32
      %mul3A_127 = arith.muli %scan3A_71, %mul3A_126 : i32
      %add3A_128 = arith.constant 0 : i32
      %add3A_129 = arith.addi %mul3A_127, %add3A_128 : i32
      %swap3A_130 = arith.index_cast %add3A_129 : i32 to index
      %swap3A_131 = arith.constant 96 : index
      %swap3A_132 = tpu.vector_load %arg7[%swap3A_130, %swap3A_131] {strides = array<i32>} : memref<256x128xf32, #tpu.memory_space<vmem>>, vector<1x16xf32>,
      %swap3A_133 = vector.shape_cast %swap3A_132 : vector<1x16xf32> to vector<16xf32>
      %swap3A_134 = vector.shape_cast %broadcast_in_dim3A_31 : vector<16xf32> to vector<1x16xf32>
      tpu.vector_store %arg7[%swap3A_130, %swap3A_131], %swap3A_134 {strides = array<i32>} : memref<256x128xf32, #tpu.memory_space<vmem>>, vector<1x16xf32>,
      %mul3A_135 = arith.constant 4 : i32
      %mul3A_136 = arith.muli %scan3A_71, %mul3A_135 : i32
      %add3A_137 = arith.constant 0 : i32
      %add3A_138 = arith.addi %mul3A_136, %add3A_137 : i32
      %swap3A_139 = arith.index_cast %add3A_138 : i32 to index
      %swap3A_140 = arith.constant 112 : index
      %swap3A_141 = tpu.vector_load %arg7[%swap3A_139, %swap3A_140] {strides = array<i32>} : memref<256x128xf32, #tpu.memory_space<vmem>>, vector<1x16xf32>,
      %swap3A_142 = vector.shape_cast %swap3A_141 : vector<1x16xf32> to vector<16xf32>
      %swap3A_143 = vector.shape_cast %broadcast_in_dim3A_31 : vector<16xf32> to vector<1x16xf32>
      tpu.vector_store %arg7[%swap3A_139, %swap3A_140], %swap3A_143 {strides = array<i32>} : memref<256x128xf32, #tpu.memory_space<vmem>>, vector<1x16xf32>,
      %mul3A_144 = arith.constant 4 : i32
      %mul3A_145 = arith.muli %scan3A_71, %mul3A_144 : i32
      %add3A_146 = arith.constant 1 : i32
      %add3A_147 = arith.addi %mul3A_145, %add3A_146 : i32
      %swap3A_148 = arith.index_cast %add3A_147 : i32 to index
      %swap3A_149 = arith.constant 0 : index
      %swap3A_150 = tpu.vector_load %arg7[%swap3A_148, %swap3A_149] {strides = array<i32>} : memref<256x128xf32, #tpu.memory_space<vmem>>, vector<1x16xf32>,
      %swap3A_151 = vector.shape_cast %swap3A_150 : vector<1x16xf32> to vector<16xf32>
      %swap3A_152 = vector.shape_cast %broadcast_in_dim3A_31 : vector<16xf32> to vector<1x16xf32>
      tpu.vector_store %arg7[%swap3A_148, %swap3A_149], %swap3A_152 {strides = array<i32>} : memref<256x128xf32, #tpu.memory_space<vmem>>, vector<1x16xf32>,
      %mul3A_153 = arith.constant 4 : i32
      %mul3A_154 = arith.muli %scan3A_71, %mul3A_153 : i32
      %add3A_155 = arith.constant 1 : i32
      %add3A_156 = arith.addi %mul3A_154, %add3A_155 : i32
      %swap3A_157 = arith.index_cast %add3A_156 : i32 to index
      %swap3A_158 = arith.constant 16 : index
      %swap3A_159 = tpu.vector_load %arg7[%swap3A_157, %swap3A_158] {strides = array<i32>} : memref<256x128xf32, #tpu.memory_space<vmem>>, vector<1x16xf32>,
      %swap3A_160 = vector.shape_cast %swap3A_159 : vector<1x16xf32> to vector<16xf32>
      %swap3A_161 = vector.shape_cast %broadcast_in_dim3A_31 : vector<16xf32> to vector<1x16xf32>
      tpu.vector_store %arg7[%swap3A_157, %swap3A_158], %swap3A_161 {strides = array<i32>} : memref<256x128xf32, #tpu.memory_space<vmem>>, vector<1x16xf32>,
      %mul3A_162 = arith.constant 4 : i32
      %mul3A_163 = arith.muli %scan3A_71, %mul3A_162 : i32
      %add3A_164 = arith.constant 1 : i32
      %add3A_165 = arith.addi %mul3A_163, %add3A_164 : i32
      %swap3A_166 = arith.index_cast %add3A_165 : i32 to index
      %swap3A_167 = arith.constant 32 : index
      %swap3A_168 = tpu.vector_load %arg7[%swap3A_166, %swap3A_167] {strides = array<i32>} : memref<256x128xf32, #tpu.memory_space<vmem>>, vector<1x16xf32>,
      %swap3A_169 = vector.shape_cast %swap3A_168 : vector<1x16xf32> to vector<16xf32>
      %swap3A_170 = vector.shape_cast %broadcast_in_dim3A_31 : vector<16xf32> to vector<1x16xf32>
      tpu.vector_store %arg7[%swap3A_166, %swap3A_167], %swap3A_170 {strides = array<i32>} : memref<256x128xf32, #tpu.memory_space<vmem>>, vector<1x16xf32>,
      %mul3A_171 = arith.constant 4 : i32
      %mul3A_172 = arith.muli %scan3A_71, %mul3A_171 : i32
      %add3A_173 = arith.constant 1 : i32
      %add3A_174 = arith.addi %mul3A_172, %add3A_173 : i32
      %swap3A_175 = arith.index_cast %add3A_174 : i32 to index
      %swap3A_176 = arith.constant 48 : index
      %swap3A_177 = tpu.vector_load %arg7[%swap3A_175, %swap3A_176] {strides = array<i32>} : memref<256x128xf32, #tpu.memory_space<vmem>>, vector<1x16xf32>,
      %swap3A_178 = vector.shape_cast %swap3A_177 : vector<1x16xf32> to vector<16xf32>
      %swap3A_179 = vector.shape_cast %broadcast_in_dim3A_31 : vector<16xf32> to vector<1x16xf32>
      tpu.vector_store %arg7[%swap3A_175, %swap3A_176], %swap3A_179 {strides = array<i32>} : memref<256x128xf32, #tpu.memory_space<vmem>>, vector<1x16xf32>,
      %mul3A_180 = arith.constant 4 : i32
      %mul3A_181 = arith.muli %scan3A_71, %mul3A_180 : i32
      %add3A_182 = arith.constant 1 : i32
      %add3A_183 = arith.addi %mul3A_181, %add3A_182 : i32
      %swap3A_184 = arith.index_cast %add3A_183 : i32 to index
      %swap3A_185 = arith.constant 64 : index
      %swap3A_186 = tpu.vector_load %arg7[%swap3A_184, %swap3A_185] {strides = array<i32>} : memref<256x128xf32, #tpu.memory_space<vmem>>, vector<1x16xf32>,
      %swap3A_187 = vector.shape_cast %swap3A_186 : vector<1x16xf32> to vector<16xf32>
      %swap3A_188 = vector.shape_cast %broadcast_in_dim3A_31 : vector<16xf32> to vector<1x16xf32>
      tpu.vector_store %arg7[%swap3A_184, %swap3A_185], %swap3A_188 {strides = array<i32>} : memref<256x128xf32, #tpu.memory_space<vmem>>, vector<1x16xf32>,
      %mul3A_189 = arith.constant 4 : i32
      %mul3A_190 = arith.muli %scan3A_71, %mul3A_189 : i32
      %add3A_191 = arith.constant 1 : i32
      %add3A_192 = arith.addi %mul3A_190, %add3A_191 : i32
      %swap3A_193 = arith.index_cast %add3A_192 : i32 to index
      %swap3A_194 = arith.constant 80 : index
      %swap3A_195 = tpu.vector_load %arg7[%swap3A_193, %swap3A_194] {strides = array<i32>} : memref<256x128xf32, #tpu.memory_space<vmem>>, vector<1x16xf32>,
      %swap3A_196 = vector.shape_cast %swap3A_195 : vector<1x16xf32> to vector<16xf32>
      %swap3A_197 = vector.shape_cast %broadcast_in_dim3A_31 : vector<16xf32> to vector<1x16xf32>
      tpu.vector_store %arg7[%swap3A_193, %swap3A_194], %swap3A_197 {strides = array<i32>} : memref<256x128xf32, #tpu.memory_space<vmem>>, vector<1x16xf32>,
      %mul3A_198 = arith.constant 4 : i32
      %mul3A_199 = arith.muli %scan3A_71, %mul3A_198 : i32
      %add3A_200 = arith.constant 1 : i32
      %add3A_201 = arith.addi %mul3A_199, %add3A_200 : i32
      %swap3A_202 = arith.index_cast %add3A_201 : i32 to index
      %swap3A_203 = arith.constant 96 : index
      %swap3A_204 = tpu.vector_load %arg7[%swap3A_202, %swap3A_203] {strides = array<i32>} : memref<256x128xf32, #tpu.memory_space<vmem>>, vector<1x16xf32>,
      %swap3A_205 = vector.shape_cast %swap3A_204 : vector<1x16xf32> to vector<16xf32>
      %swap3A_206 = vector.shape_cast %broadcast_in_dim3A_31 : vector<16xf32> to vector<1x16xf32>
      tpu.vector_store %arg7[%swap3A_202, %swap3A_203], %swap3A_206 {strides = array<i32>} : memref<256x128xf32, #tpu.memory_space<vmem>>, vector<1x16xf32>,
      %mul3A_207 = arith.constant 4 : i32
      %mul3A_208 = arith.muli %scan3A_71, %mul3A_207 : i32
      %add3A_209 = arith.constant 1 : i32
      %add3A_210 = arith.addi %mul3A_208, %add3A_209 : i32
      %swap3A_211 = arith.index_cast %add3A_210 : i32 to index
      %swap3A_212 = arith.constant 112 : index
      %swap3A_213 = tpu.vector_load %arg7[%swap3A_211, %swap3A_212] {strides = array<i32>} : memref<256x128xf32, #tpu.memory_space<vmem>>, vector<1x16xf32>,
      %swap3A_214 = vector.shape_cast %swap3A_213 : vector<1x16xf32> to vector<16xf32>
      %swap3A_215 = vector.shape_cast %broadcast_in_dim3A_31 : vector<16xf32> to vector<1x16xf32>
      tpu.vector_store %arg7[%swap3A_211, %swap3A_212], %swap3A_215 {strides = array<i32>} : memref<256x128xf32, #tpu.memory_space<vmem>>, vector<1x16xf32>,
      %mul3A_216 = arith.constant 4 : i32
      %mul3A_217 = arith.muli %scan3A_71, %mul3A_216 : i32
      %add3A_218 = arith.constant 2 : i32
      %add3A_219 = arith.addi %mul3A_217, %add3A_218 : i32
      %swap3A_220 = arith.index_cast %add3A_219 : i32 to index
      %swap3A_221 = arith.constant 0 : index
      %swap3A_222 = tpu.vector_load %arg7[%swap3A_220, %swap3A_221] {strides = array<i32>} : memref<256x128xf32, #tpu.memory_space<vmem>>, vector<1x16xf32>,
      %swap3A_223 = vector.shape_cast %swap3A_222 : vector<1x16xf32> to vector<16xf32>
      %swap3A_224 = vector.shape_cast %broadcast_in_dim3A_31 : vector<16xf32> to vector<1x16xf32>
      tpu.vector_store %arg7[%swap3A_220, %swap3A_221], %swap3A_224 {strides = array<i32>} : memref<256x128xf32, #tpu.memory_space<vmem>>, vector<1x16xf32>,
      %mul3A_225 = arith.constant 4 : i32
      %mul3A_226 = arith.muli %scan3A_71, %mul3A_225 : i32
      %add3A_227 = arith.constant 2 : i32
      %add3A_228 = arith.addi %mul3A_226, %add3A_227 : i32
      %swap3A_229 = arith.index_cast %add3A_228 : i32 to index
      %swap3A_230 = arith.constant 16 : index
      %swap3A_231 = tpu.vector_load %arg7[%swap3A_229, %swap3A_230] {strides = array<i32>} : memref<256x128xf32, #tpu.memory_space<vmem>>, vector<1x16xf32>,
      %swap3A_232 = vector.shape_cast %swap3A_231 : vector<1x16xf32> to vector<16xf32>
      %swap3A_233 = vector.shape_cast %broadcast_in_dim3A_31 : vector<16xf32> to vector<1x16xf32>
      tpu.vector_store %arg7[%swap3A_229, %swap3A_230], %swap3A_233 {strides = array<i32>} : memref<256x128xf32, #tpu.memory_space<vmem>>, vector<1x16xf32>,
      %mul3A_234 = arith.constant 4 : i32
      %mul3A_235 = arith.muli %scan3A_71, %mul3A_234 : i32
      %add3A_236 = arith.constant 2 : i32
      %add3A_237 = arith.addi %mul3A_235, %add3A_236 : i32
      %swap3A_238 = arith.index_cast %add3A_237 : i32 to index
      %swap3A_239 = arith.constant 32 : index
      %swap3A_240 = tpu.vector_load %arg7[%swap3A_238, %swap3A_239] {strides = array<i32>} : memref<256x128xf32, #tpu.memory_space<vmem>>, vector<1x16xf32>,
      %swap3A_241 = vector.shape_cast %swap3A_240 : vector<1x16xf32> to vector<16xf32>
      %swap3A_242 = vector.shape_cast %broadcast_in_dim3A_31 : vector<16xf32> to vector<1x16xf32>
      tpu.vector_store %arg7[%swap3A_238, %swap3A_239], %swap3A_242 {strides = array<i32>} : memref<256x128xf32, #tpu.memory_space<vmem>>, vector<1x16xf32>,
      %mul3A_243 = arith.constant 4 : i32
      %mul3A_244 = arith.muli %scan3A_71, %mul3A_243 : i32
      %add3A_245 = arith.constant 2 : i32
      %add3A_246 = arith.addi %mul3A_244, %add3A_245 : i32
      %swap3A_247 = arith.index_cast %add3A_246 : i32 to index
      %swap3A_248 = arith.constant 48 : index
      %swap3A_249 = tpu.vector_load %arg7[%swap3A_247, %swap3A_248] {strides = array<i32>} : memref<256x128xf32, #tpu.memory_space<vmem>>, vector<1x16xf32>,
      %swap3A_250 = vector.shape_cast %swap3A_249 : vector<1x16xf32> to vector<16xf32>
      %swap3A_251 = vector.shape_cast %broadcast_in_dim3A_31 : vector<16xf32> to vector<1x16xf32>
      tpu.vector_store %arg7[%swap3A_247, %swap3A_248], %swap3A_251 {strides = array<i32>} : memref<256x128xf32, #tpu.memory_space<vmem>>, vector<1x16xf32>,
      %mul3A_252 = arith.constant 4 : i32
      %mul3A_253 = arith.muli %scan3A_71, %mul3A_252 : i32
      %add3A_254 = arith.constant 2 : i32
      %add3A_255 = arith.addi %mul3A_253, %add3A_254 : i32
      %swap3A_256 = arith.index_cast %add3A_255 : i32 to index
      %swap3A_257 = arith.constant 64 : index
      %swap3A_258 = tpu.vector_load %arg7[%swap3A_256, %swap3A_257] {strides = array<i32>} : memref<256x128xf32, #tpu.memory_space<vmem>>, vector<1x16xf32>,
      %swap3A_259 = vector.shape_cast %swap3A_258 : vector<1x16xf32> to vector<16xf32>
      %swap3A_260 = vector.shape_cast %broadcast_in_dim3A_31 : vector<16xf32> to vector<1x16xf32>
      tpu.vector_store %arg7[%swap3A_256, %swap3A_257], %swap3A_260 {strides = array<i32>} : memref<256x128xf32, #tpu.memory_space<vmem>>, vector<1x16xf32>,
      %mul3A_261 = arith.constant 4 : i32
      %mul3A_262 = arith.muli %scan3A_71, %mul3A_261 : i32
      %add3A_263 = arith.constant 2 : i32
      %add3A_264 = arith.addi %mul3A_262, %add3A_263 : i32
      %swap3A_265 = arith.index_cast %add3A_264 : i32 to index
      %swap3A_266 = arith.constant 80 : index
      %swap3A_267 = tpu.vector_load %arg7[%swap3A_265, %swap3A_266] {strides = array<i32>} : memref<256x128xf32, #tpu.memory_space<vmem>>, vector<1x16xf32>,
      %swap3A_268 = vector.shape_cast %swap3A_267 : vector<1x16xf32> to vector<16xf32>
      %swap3A_269 = vector.shape_cast %broadcast_in_dim3A_31 : vector<16xf32> to vector<1x16xf32>
      tpu.vector_store %arg7[%swap3A_265, %swap3A_266], %swap3A_269 {strides = array<i32>} : memref<256x128xf32, #tpu.memory_space<vmem>>, vector<1x16xf32>,
      %mul3A_270 = arith.constant 4 : i32
      %mul3A_271 = arith.muli %scan3A_71, %mul3A_270 : i32
      %add3A_272 = arith.constant 2 : i32
      %add3A_273 = arith.addi %mul3A_271, %add3A_272 : i32
      %swap3A_274 = arith.index_cast %add3A_273 : i32 to index
      %swap3A_275 = arith.constant 96 : index
      %swap3A_276 = tpu.vector_load %arg7[%swap3A_274, %swap3A_275] {strides = array<i32>} : memref<256x128xf32, #tpu.memory_space<vmem>>, vector<1x16xf32>,
      %swap3A_277 = vector.shape_cast %swap3A_276 : vector<1x16xf32> to vector<16xf32>
      %swap3A_278 = vector.shape_cast %broadcast_in_dim3A_31 : vector<16xf32> to vector<1x16xf32>
      tpu.vector_store %arg7[%swap3A_274, %swap3A_275], %swap3A_278 {strides = array<i32>} : memref<256x128xf32, #tpu.memory_space<vmem>>, vector<1x16xf32>,
      %mul3A_279 = arith.constant 4 : i32
      %mul3A_280 = arith.muli %scan3A_71, %mul3A_279 : i32
      %add3A_281 = arith.constant 2 : i32
      %add3A_282 = arith.addi %mul3A_280, %add3A_281 : i32
      %swap3A_283 = arith.index_cast %add3A_282 : i32 to index
      %swap3A_284 = arith.constant 112 : index
      %swap3A_285 = tpu.vector_load %arg7[%swap3A_283, %swap3A_284] {strides = array<i32>} : memref<256x128xf32, #tpu.memory_space<vmem>>, vector<1x16xf32>,
      %swap3A_286 = vector.shape_cast %swap3A_285 : vector<1x16xf32> to vector<16xf32>
      %swap3A_287 = vector.shape_cast %broadcast_in_dim3A_31 : vector<16xf32> to vector<1x16xf32>
      tpu.vector_store %arg7[%swap3A_283, %swap3A_284], %swap3A_287 {strides = array<i32>} : memref<256x128xf32, #tpu.memory_space<vmem>>, vector<1x16xf32>,
      %mul3A_288 = arith.constant 4 : i32
      %mul3A_289 = arith.muli %scan3A_71, %mul3A_288 : i32
      %add3A_290 = arith.constant 3 : i32
      %add3A_291 = arith.addi %mul3A_289, %add3A_290 : i32
      %swap3A_292 = arith.index_cast %add3A_291 : i32 to index
      %swap3A_293 = arith.constant 0 : index
      %swap3A_294 = tpu.vector_load %arg7[%swap3A_292, %swap3A_293] {strides = array<i32>} : memref<256x128xf32, #tpu.memory_space<vmem>>, vector<1x16xf32>,
      %swap3A_295 = vector.shape_cast %swap3A_294 : vector<1x16xf32> to vector<16xf32>
      %swap3A_296 = vector.shape_cast %broadcast_in_dim3A_31 : vector<16xf32> to vector<1x16xf32>
      tpu.vector_store %arg7[%swap3A_292, %swap3A_293], %swap3A_296 {strides = array<i32>} : memref<256x128xf32, #tpu.memory_space<vmem>>, vector<1x16xf32>,
      %mul3A_297 = arith.constant 4 : i32
      %mul3A_298 = arith.muli %scan3A_71, %mul3A_297 : i32
      %add3A_299 = arith.constant 3 : i32
      %add3A_300 = arith.addi %mul3A_298, %add3A_299 : i32
      %swap3A_301 = arith.index_cast %add3A_300 : i32 to index
      %swap3A_302 = arith.constant 16 : index
      %swap3A_303 = tpu.vector_load %arg7[%swap3A_301, %swap3A_302] {strides = array<i32>} : memref<256x128xf32, #tpu.memory_space<vmem>>, vector<1x16xf32>,
      %swap3A_304 = vector.shape_cast %swap3A_303 : vector<1x16xf32> to vector<16xf32>
      %swap3A_305 = vector.shape_cast %broadcast_in_dim3A_31 : vector<16xf32> to vector<1x16xf32>
      tpu.vector_store %arg7[%swap3A_301, %swap3A_302], %swap3A_305 {strides = array<i32>} : memref<256x128xf32, #tpu.memory_space<vmem>>, vector<1x16xf32>,
      %mul3A_306 = arith.constant 4 : i32
      %mul3A_307 = arith.muli %scan3A_71, %mul3A_306 : i32
      %add3A_308 = arith.constant 3 : i32
      %add3A_309 = arith.addi %mul3A_307, %add3A_308 : i32
      %swap3A_310 = arith.index_cast %add3A_309 : i32 to index
      %swap3A_311 = arith.constant 32 : index
      %swap3A_312 = tpu.vector_load %arg7[%swap3A_310, %swap3A_311] {strides = array<i32>} : memref<256x128xf32, #tpu.memory_space<vmem>>, vector<1x16xf32>,
      %swap3A_313 = vector.shape_cast %swap3A_312 : vector<1x16xf32> to vector<16xf32>
      %swap3A_314 = vector.shape_cast %broadcast_in_dim3A_31 : vector<16xf32> to vector<1x16xf32>
      tpu.vector_store %arg7[%swap3A_310, %swap3A_311], %swap3A_314 {strides = array<i32>} : memref<256x128xf32, #tpu.memory_space<vmem>>, vector<1x16xf32>,
      %mul3A_315 = arith.constant 4 : i32
      %mul3A_316 = arith.muli %scan3A_71, %mul3A_315 : i32
      %add3A_317 = arith.constant 3 : i32
      %add3A_318 = arith.addi %mul3A_316, %add3A_317 : i32
      %swap3A_319 = arith.index_cast %add3A_318 : i32 to index
      %swap3A_320 = arith.constant 48 : index
      %swap3A_321 = tpu.vector_load %arg7[%swap3A_319, %swap3A_320] {strides = array<i32>} : memref<256x128xf32, #tpu.memory_space<vmem>>, vector<1x16xf32>,
      %swap3A_322 = vector.shape_cast %swap3A_321 : vector<1x16xf32> to vector<16xf32>
      %swap3A_323 = vector.shape_cast %broadcast_in_dim3A_31 : vector<16xf32> to vector<1x16xf32>
      tpu.vector_store %arg7[%swap3A_319, %swap3A_320], %swap3A_323 {strides = array<i32>} : memref<256x128xf32, #tpu.memory_space<vmem>>, vector<1x16xf32>,
      %mul3A_324 = arith.constant 4 : i32
      %mul3A_325 = arith.muli %scan3A_71, %mul3A_324 : i32
      %add3A_326 = arith.constant 3 : i32
      %add3A_327 = arith.addi %mul3A_325, %add3A_326 : i32
      %swap3A_328 = arith.index_cast %add3A_327 : i32 to index
      %swap3A_329 = arith.constant 64 : index
      %swap3A_330 = tpu.vector_load %arg7[%swap3A_328, %swap3A_329] {strides = array<i32>} : memref<256x128xf32, #tpu.memory_space<vmem>>, vector<1x16xf32>,
      %swap3A_331 = vector.shape_cast %swap3A_330 : vector<1x16xf32> to vector<16xf32>
      %swap3A_332 = vector.shape_cast %broadcast_in_dim3A_31 : vector<16xf32> to vector<1x16xf32>
      tpu.vector_store %arg7[%swap3A_328, %swap3A_329], %swap3A_332 {strides = array<i32>} : memref<256x128xf32, #tpu.memory_space<vmem>>, vector<1x16xf32>,
      %mul3A_333 = arith.constant 4 : i32
      %mul3A_334 = arith.muli %scan3A_71, %mul3A_333 : i32
      %add3A_335 = arith.constant 3 : i32
      %add3A_336 = arith.addi %mul3A_334, %add3A_335 : i32
      %swap3A_337 = arith.index_cast %add3A_336 : i32 to index
      %swap3A_338 = arith.constant 80 : index
      %swap3A_339 = tpu.vector_load %arg7[%swap3A_337, %swap3A_338] {strides = array<i32>} : memref<256x128xf32, #tpu.memory_space<vmem>>, vector<1x16xf32>,
      %swap3A_340 = vector.shape_cast %swap3A_339 : vector<1x16xf32> to vector<16xf32>
      %swap3A_341 = vector.shape_cast %broadcast_in_dim3A_31 : vector<16xf32> to vector<1x16xf32>
      tpu.vector_store %arg7[%swap3A_337, %swap3A_338], %swap3A_341 {strides = array<i32>} : memref<256x128xf32, #tpu.memory_space<vmem>>, vector<1x16xf32>,
      %mul3A_342 = arith.constant 4 : i32
      %mul3A_343 = arith.muli %scan3A_71, %mul3A_342 : i32
      %add3A_344 = arith.constant 3 : i32
      %add3A_345 = arith.addi %mul3A_343, %add3A_344 : i32
      %swap3A_346 = arith.index_cast %add3A_345 : i32 to index
      %swap3A_347 = arith.constant 96 : index
      %swap3A_348 = tpu.vector_load %arg7[%swap3A_346, %swap3A_347] {strides = array<i32>} : memref<256x128xf32, #tpu.memory_space<vmem>>, vector<1x16xf32>,
      %swap3A_349 = vector.shape_cast %swap3A_348 : vector<1x16xf32> to vector<16xf32>
      %swap3A_350 = vector.shape_cast %broadcast_in_dim3A_31 : vector<16xf32> to vector<1x16xf32>
      tpu.vector_store %arg7[%swap3A_346, %swap3A_347], %swap3A_350 {strides = array<i32>} : memref<256x128xf32, #tpu.memory_space<vmem>>, vector<1x16xf32>,
      %mul3A_351 = arith.constant 4 : i32
      %mul3A_352 = arith.muli %scan3A_71, %mul3A_351 : i32
      %add3A_353 = arith.constant 3 : i32
      %add3A_354 = arith.addi %mul3A_352, %add3A_353 : i32
      %swap3A_355 = arith.index_cast %add3A_354 : i32 to index
      %swap3A_356 = arith.constant 112 : index
      %swap3A_357 = tpu.vector_load %arg7[%swap3A_355, %swap3A_356] {strides = array<i32>} : memref<256x128xf32, #tpu.memory_space<vmem>>, vector<1x16xf32>,
      %swap3A_358 = vector.shape_cast %swap3A_357 : vector<1x16xf32> to vector<16xf32>
      %swap3A_359 = vector.shape_cast %broadcast_in_dim3A_31 : vector<16xf32> to vector<1x16xf32>
      tpu.vector_store %arg7[%swap3A_355, %swap3A_356], %swap3A_359 {strides = array<i32>} : memref<256x128xf32, #tpu.memory_space<vmem>>, vector<1x16xf32>,
      %scan3A_360 = arith.constant 0 : i32
      scf.yield %scan3A_360 : i32
    }
    %scan3A_37 = arith.constant 64 : i32
    %mul3A_38 = arith.constant 4 : i32
    %mul3A_39 = arith.muli %select_n3A_28, %mul3A_38 : i32
    "tpu.region"() ({
      %run_scoped3A = tpu.sem_alloc : memref<!tpu.dma_semaphore, #tpu.memory_space<semaphore_mem>>
      %dma_start3A = arith.constant 0 : i32
      %dma_start3A_71 = tpu.memref_slice %arg2[%add3A_30, %mul3A_39, %dma_start3A] : memref<4x32x128xi32, #tpu.memory_space<hbm>> -> memref<1x4x128xi32, #tpu.memory_space<hbm>>
      %dma_start3A_72 = tpu.memref_squeeze %dma_start3A_71 : memref<1x4x128xi32, #tpu.memory_space<hbm>> -> memref<4x128xi32, #tpu.memory_space<hbm>>
      %dma_start3A_73 = arith.constant 0 : i32
      %dma_start3A_74 = tpu.memref_slice %arg2[%add3A_30, %mul3A_39, %dma_start3A_73] : memref<4x32x128xi32, #tpu.memory_space<hbm>> -> memref<1x4x128xi32, #tpu.memory_space<hbm>>
      %dma_start3A_75 = tpu.memref_squeeze %dma_start3A_74 : memref<1x4x128xi32, #tpu.memory_space<hbm>> -> memref<4x128xi32, #tpu.memory_space<hbm>>
      tpu.enqueue_dma source(%dma_start3A_75 : memref<4x128xi32, #tpu.memory_space<hbm>>) target(%arg5 : memref<4x128xi32, #tpu.memory_space<vmem>>) target_semaphore(%run_scoped3A : memref<!tpu.dma_semaphore, #tpu.memory_space<semaphore_mem>>)
      %dma_wait3A = arith.constant 0 : i32
      %dma_wait3A_76 = tpu.memref_slice %arg2[%add3A_30, %mul3A_39, %dma_wait3A] : memref<4x32x128xi32, #tpu.memory_space<hbm>> -> memref<1x4x128xi32, #tpu.memory_space<hbm>>
      %dma_wait3A_77 = tpu.memref_squeeze %dma_wait3A_76 : memref<1x4x128xi32, #tpu.memory_space<hbm>> -> memref<4x128xi32, #tpu.memory_space<hbm>>
      %dma_wait3A_78 = arith.constant 0 : i32
      %dma_wait3A_79 = tpu.memref_slice %arg2[%add3A_30, %mul3A_39, %dma_wait3A_78] : memref<4x32x128xi32, #tpu.memory_space<hbm>> -> memref<1x4x128xi32, #tpu.memory_space<hbm>>
      %dma_wait3A_80 = tpu.memref_squeeze %dma_wait3A_79 : memref<1x4x128xi32, #tpu.memory_space<hbm>> -> memref<4x128xi32, #tpu.memory_space<hbm>>
      tpu.wait_dma2 semaphore(%run_scoped3A : memref<!tpu.dma_semaphore, #tpu.memory_space<semaphore_mem>>) src(%dma_wait3A_80 : memref<4x128xi32, #tpu.memory_space<hbm>>) dst(%arg5 : memref<4x128xi32, #tpu.memory_space<vmem>>)
      tpu.yield
    }) : () -> ()
    %mul3A_40 = arith.constant 256 : i32
    %mul3A_41 = arith.muli %select_n3A_28, %mul3A_40 : i32
    "tpu.region"() ({
      %run_scoped3A = tpu.sem_alloc : memref<!tpu.dma_semaphore, #tpu.memory_space<semaphore_mem>>
      %dma_start3A = arith.constant 0 : i32
      %dma_start3A_71 = arith.constant 0 : i32
      %dma_start3A_72 = tpu.memref_slice %arg8[%select_n3A, %dma_start3A, %dma_start3A_71] : memref<2x2048x128xf32, #tpu.memory_space<vmem_shared>> -> memref<1x2048x128xf32, #tpu.memory_space<vmem_shared>>
      %dma_start3A_73 = tpu.memref_squeeze %dma_start3A_72 : memref<1x2048x128xf32, #tpu.memory_space<vmem_shared>> -> memref<2048x128xf32, #tpu.memory_space<vmem_shared>>
      %dma_start3A_74 = arith.constant 0 : i32
      %dma_start3A_75 = tpu.memref_slice %dma_start3A_73[%mul3A_41, %dma_start3A_74] : memref<2048x128xf32, #tpu.memory_space<vmem_shared>> -> memref<256x128xf32, #tpu.memory_space<vmem_shared>>
      %dma_start3A_76 = arith.constant 0 : i32
      %dma_start3A_77 = arith.constant 0 : i32
      %dma_start3A_78 = tpu.memref_slice %arg8[%select_n3A, %dma_start3A_76, %dma_start3A_77] : memref<2x2048x128xf32, #tpu.memory_space<vmem_shared>> -> memref<1x2048x128xf32, #tpu.memory_space<vmem_shared>>
      %dma_start3A_79 = tpu.memref_squeeze %dma_start3A_78 : memref<1x2048x128xf32, #tpu.memory_space<vmem_shared>> -> memref<2048x128xf32, #tpu.memory_space<vmem_shared>>
      %dma_start3A_80 = arith.constant 0 : i32
      %dma_start3A_81 = tpu.memref_slice %dma_start3A_79[%mul3A_41, %dma_start3A_80] : memref<2048x128xf32, #tpu.memory_space<vmem_shared>> -> memref<256x128xf32, #tpu.memory_space<vmem_shared>>
      tpu.enqueue_dma source(%arg7 : memref<256x128xf32, #tpu.memory_space<vmem>>) target(%dma_start3A_81 : memref<256x128xf32, #tpu.memory_space<vmem_shared>>) target_semaphore(%run_scoped3A : memref<!tpu.dma_semaphore, #tpu.memory_space<semaphore_mem>>)
      %dma_wait3A = arith.constant 0 : i32
      %dma_wait3A_82 = arith.constant 0 : i32
      %dma_wait3A_83 = tpu.memref_slice %arg8[%select_n3A, %dma_wait3A, %dma_wait3A_82] : memref<2x2048x128xf32, #tpu.memory_space<vmem_shared>> -> memref<1x2048x128xf32, #tpu.memory_space<vmem_shared>>
      %dma_wait3A_84 = tpu.memref_squeeze %dma_wait3A_83 : memref<1x2048x128xf32, #tpu.memory_space<vmem_shared>> -> memref<2048x128xf32, #tpu.memory_space<vmem_shared>>
      %dma_wait3A_85 = arith.constant 0 : i32
      %dma_wait3A_86 = tpu.memref_slice %dma_wait3A_84[%mul3A_41, %dma_wait3A_85] : memref<2048x128xf32, #tpu.memory_space<vmem_shared>> -> memref<256x128xf32, #tpu.memory_space<vmem_shared>>
      %dma_wait3A_87 = arith.constant 0 : i32
      %dma_wait3A_88 = arith.constant 0 : i32
      %dma_wait3A_89 = tpu.memref_slice %arg8[%select_n3A, %dma_wait3A_87, %dma_wait3A_88] : memref<2x2048x128xf32, #tpu.memory_space<vmem_shared>> -> memref<1x2048x128xf32, #tpu.memory_space<vmem_shared>>
      %dma_wait3A_90 = tpu.memref_squeeze %dma_wait3A_89 : memref<1x2048x128xf32, #tpu.memory_space<vmem_shared>> -> memref<2048x128xf32, #tpu.memory_space<vmem_shared>>
      %dma_wait3A_91 = arith.constant 0 : i32
      %dma_wait3A_92 = tpu.memref_slice %dma_wait3A_90[%mul3A_41, %dma_wait3A_91] : memref<2048x128xf32, #tpu.memory_space<vmem_shared>> -> memref<256x128xf32, #tpu.memory_space<vmem_shared>>
      tpu.wait_dma2 semaphore(%run_scoped3A : memref<!tpu.dma_semaphore, #tpu.memory_space<semaphore_mem>>) src(%arg7 : memref<256x128xf32, #tpu.memory_space<vmem>>) dst(%dma_wait3A_92 : memref<256x128xf32, #tpu.memory_space<vmem_shared>>)
      tpu.yield
    }) : () -> ()
    %barrier3A = arith.constant 0 : index
    tpu.barrier barrier_id(%barrier3A)
    %scan3A_42 = arith.constant 0 : i32
    %scan3A_43 = arith.constant 0 : i32
    %scan3A_44 = arith.constant 4 : i32
    %scan3A_45 = arith.addi %scan3A_43, %scan3A_44 : i32
    %scan3A_46 = arith.constant 1 : i32
    %scan3A_47 = scf.for %scan3A_71 = %scan3A_43 to %scan3A_45 step %scan3A_46 iter_args(%scan3A_72 = %scan3A_42) -> (i32)  : i32 {
      %mul3A_73 = arith.constant 512 : i32
      %mul3A_74 = arith.muli %select_n3A_28, %mul3A_73 : i32
      %mul3A_75 = arith.constant 128 : i32
      %mul3A_76 = arith.muli %scan3A_71, %mul3A_75 : i32
      %add3A_77 = arith.addi %mul3A_74, %mul3A_76 : i32
      "tpu.region"() ({
        %run_scoped3A = tpu.sem_alloc : memref<!tpu.dma_semaphore, #tpu.memory_space<semaphore_mem>>
        %dma_start3A = arith.constant 0 : i32
        %dma_start3A_79 = tpu.memref_slice %arg3[%add3A_30, %add3A_77, %dma_start3A] : memref<4x4096x256xf32, #tpu.memory_space<hbm>> -> memref<1x128x128xf32, #tpu.memory_space<hbm>>
        %dma_start3A_80 = tpu.memref_squeeze %dma_start3A_79 : memref<1x128x128xf32, #tpu.memory_space<hbm>> -> memref<128x128xf32, #tpu.memory_space<hbm>>
        %dma_start3A_81 = arith.constant 0 : i32
        %dma_start3A_82 = tpu.memref_slice %arg3[%add3A_30, %add3A_77, %dma_start3A_81] : memref<4x4096x256xf32, #tpu.memory_space<hbm>> -> memref<1x128x128xf32, #tpu.memory_space<hbm>>
        %dma_start3A_83 = tpu.memref_squeeze %dma_start3A_82 : memref<1x128x128xf32, #tpu.memory_space<hbm>> -> memref<128x128xf32, #tpu.memory_space<hbm>>
        tpu.enqueue_dma source(%dma_start3A_83 : memref<128x128xf32, #tpu.memory_space<hbm>>) target(%arg6 : memref<128x128xf32, #tpu.memory_space<vmem>>) target_semaphore(%run_scoped3A : memref<!tpu.dma_semaphore, #tpu.memory_space<semaphore_mem>>)
        %dma_wait3A = arith.constant 0 : i32
        %dma_wait3A_84 = tpu.memref_slice %arg3[%add3A_30, %add3A_77, %dma_wait3A] : memref<4x4096x256xf32, #tpu.memory_space<hbm>> -> memref<1x128x128xf32, #tpu.memory_space<hbm>>
        %dma_wait3A_85 = tpu.memref_squeeze %dma_wait3A_84 : memref<1x128x128xf32, #tpu.memory_space<hbm>> -> memref<128x128xf32, #tpu.memory_space<hbm>>
        %dma_wait3A_86 = arith.constant 0 : i32
        %dma_wait3A_87 = tpu.memref_slice %arg3[%add3A_30, %add3A_77, %dma_wait3A_86] : memref<4x4096x256xf32, #tpu.memory_space<hbm>> -> memref<1x128x128xf32, #tpu.memory_space<hbm>>
        %dma_wait3A_88 = tpu.memref_squeeze %dma_wait3A_87 : memref<1x128x128xf32, #tpu.memory_space<hbm>> -> memref<128x128xf32, #tpu.memory_space<hbm>>
        tpu.wait_dma2 semaphore(%run_scoped3A : memref<!tpu.dma_semaphore, #tpu.memory_space<semaphore_mem>>) src(%dma_wait3A_88 : memref<128x128xf32, #tpu.memory_space<hbm>>) dst(%arg6 : memref<128x128xf32, #tpu.memory_space<vmem>>)
        tpu.yield
      }) : () -> ()
      "tpu.region"() ({
        %run_scoped3A = tpu.sem_alloc : memref<!tpu.dma_semaphore, #tpu.memory_space<semaphore_mem>>
        %dma_start3A = arith.constant 0 : i32
        %dma_start3A_79 = tpu.memref_slice %arg5[%scan3A_71, %dma_start3A] : memref<4x128xi32, #tpu.memory_space<vmem>> -> memref<1x128xi32, #tpu.memory_space<vmem>>
        %dma_start3A_80 = tpu.memref_squeeze %dma_start3A_79 : memref<1x128xi32, #tpu.memory_space<vmem>> -> memref<128xi32, #tpu.memory_space<vmem>>
        %dma_start3A_81 = arith.constant 0 : i32
        %dma_start3A_82 = arith.constant 0 : i32
        %dma_start3A_83 = tpu.memref_slice %arg8[%select_n3A, %dma_start3A_81, %dma_start3A_82] : memref<2x2048x128xf32, #tpu.memory_space<vmem_shared>> -> memref<1x2048x128xf32, #tpu.memory_space<vmem_shared>>
        %dma_start3A_84 = tpu.memref_squeeze %dma_start3A_83 : memref<1x2048x128xf32, #tpu.memory_space<vmem_shared>> -> memref<2048x128xf32, #tpu.memory_space<vmem_shared>>
        %dma_start3A_85 = arith.constant 0 : i32
        %dma_start3A_86 = arith.constant 0 : i32
        %dma_start3A_87 = tpu.memref_slice %dma_start3A_84[%dma_start3A_85, %dma_start3A_86] : memref<2048x128xf32, #tpu.memory_space<vmem_shared>> -> memref<2048x128xf32, #tpu.memory_space<vmem_shared>>
        tpu.enqueue_indirect_dma source(%arg6 : memref<128x128xf32, #tpu.memory_space<vmem>>) target(%dma_start3A_87 : memref<2048x128xf32, #tpu.memory_space<vmem_shared>>) offsets(%dma_start3A_80 : memref<128xi32, #tpu.memory_space<vmem>>) semaphore(%run_scoped3A : memref<!tpu.dma_semaphore, #tpu.memory_space<semaphore_mem>>) {add = true}
        %dma_wait3A = arith.constant 0 : i32
        %dma_wait3A_88 = tpu.memref_slice %arg5[%scan3A_71, %dma_wait3A] : memref<4x128xi32, #tpu.memory_space<vmem>> -> memref<1x128xi32, #tpu.memory_space<vmem>>
        %dma_wait3A_89 = tpu.memref_squeeze %dma_wait3A_88 : memref<1x128xi32, #tpu.memory_space<vmem>> -> memref<128xi32, #tpu.memory_space<vmem>>
        %dma_wait3A_90 = arith.constant 0 : i32
        %dma_wait3A_91 = arith.constant 0 : i32
        %dma_wait3A_92 = tpu.memref_slice %arg8[%select_n3A, %dma_wait3A_90, %dma_wait3A_91] : memref<2x2048x128xf32, #tpu.memory_space<vmem_shared>> -> memref<1x2048x128xf32, #tpu.memory_space<vmem_shared>>
        %dma_wait3A_93 = tpu.memref_squeeze %dma_wait3A_92 : memref<1x2048x128xf32, #tpu.memory_space<vmem_shared>> -> memref<2048x128xf32, #tpu.memory_space<vmem_shared>>
        %dma_wait3A_94 = arith.constant 0 : i32
        %dma_wait3A_95 = arith.constant 0 : i32
        %dma_wait3A_96 = tpu.memref_slice %dma_wait3A_93[%dma_wait3A_94, %dma_wait3A_95] : memref<2048x128xf32, #tpu.memory_space<vmem_shared>> -> memref<2048x128xf32, #tpu.memory_space<vmem_shared>>
        tpu.wait_indirect_dma semaphore(%run_scoped3A : memref<!tpu.dma_semaphore, #tpu.memory_space<semaphore_mem>>) src(%arg6 : memref<128x128xf32, #tpu.memory_space<vmem>>) dst(%dma_wait3A_96 : memref<2048x128xf32, #tpu.memory_space<vmem_shared>>)
        tpu.yield
      }) : () -> ()
      %scan3A_78 = arith.constant 0 : i32
      scf.yield %scan3A_78 : i32
    }
    %scan3A_48 = arith.constant 4 : i32
    %barrier3A_49 = arith.constant 0 : index
    tpu.barrier barrier_id(%barrier3A_49)
    %mul3A_50 = arith.constant 256 : i32
    %mul3A_51 = arith.muli %select_n3A_28, %mul3A_50 : i32
    %mul3A_52 = arith.constant 256 : i32
    %mul3A_53 = arith.muli %select_n3A_28, %mul3A_52 : i32
    "tpu.region"() ({
      %run_scoped3A = tpu.sem_alloc : memref<!tpu.dma_semaphore, #tpu.memory_space<semaphore_mem>>
      %dma_start3A = arith.constant 0 : i32
      %dma_start3A_71 = tpu.memref_slice %arg4[%add3A_30, %mul3A_53, %dma_start3A] : memref<4x2048x256xf32, #tpu.memory_space<hbm>> -> memref<1x256x128xf32, #tpu.memory_space<hbm>>
      %dma_start3A_72 = tpu.memref_squeeze %dma_start3A_71 : memref<1x256x128xf32, #tpu.memory_space<hbm>> -> memref<256x128xf32, #tpu.memory_space<hbm>>
      %dma_start3A_73 = arith.constant 0 : i32
      %dma_start3A_74 = arith.constant 0 : i32
      %dma_start3A_75 = tpu.memref_slice %arg8[%select_n3A, %dma_start3A_73, %dma_start3A_74] : memref<2x2048x128xf32, #tpu.memory_space<vmem_shared>> -> memref<1x2048x128xf32, #tpu.memory_space<vmem_shared>>
      %dma_start3A_76 = tpu.memref_squeeze %dma_start3A_75 : memref<1x2048x128xf32, #tpu.memory_space<vmem_shared>> -> memref<2048x128xf32, #tpu.memory_space<vmem_shared>>
      %dma_start3A_77 = arith.constant 0 : i32
      %dma_start3A_78 = tpu.memref_slice %dma_start3A_76[%mul3A_51, %dma_start3A_77] : memref<2048x128xf32, #tpu.memory_space<vmem_shared>> -> memref<256x128xf32, #tpu.memory_space<vmem_shared>>
      tpu.enqueue_dma source(%dma_start3A_78 : memref<256x128xf32, #tpu.memory_space<vmem_shared>>) target(%dma_start3A_72 : memref<256x128xf32, #tpu.memory_space<hbm>>) target_semaphore(%run_scoped3A : memref<!tpu.dma_semaphore, #tpu.memory_space<semaphore_mem>>)
      %dma_wait3A = arith.constant 0 : i32
      %dma_wait3A_79 = tpu.memref_slice %arg4[%add3A_30, %mul3A_53, %dma_wait3A] : memref<4x2048x256xf32, #tpu.memory_space<hbm>> -> memref<1x256x128xf32, #tpu.memory_space<hbm>>
      %dma_wait3A_80 = tpu.memref_squeeze %dma_wait3A_79 : memref<1x256x128xf32, #tpu.memory_space<hbm>> -> memref<256x128xf32, #tpu.memory_space<hbm>>
      %dma_wait3A_81 = arith.constant 0 : i32
      %dma_wait3A_82 = arith.constant 0 : i32
      %dma_wait3A_83 = tpu.memref_slice %arg8[%select_n3A, %dma_wait3A_81, %dma_wait3A_82] : memref<2x2048x128xf32, #tpu.memory_space<vmem_shared>> -> memref<1x2048x128xf32, #tpu.memory_space<vmem_shared>>
      %dma_wait3A_84 = tpu.memref_squeeze %dma_wait3A_83 : memref<1x2048x128xf32, #tpu.memory_space<vmem_shared>> -> memref<2048x128xf32, #tpu.memory_space<vmem_shared>>
      %dma_wait3A_85 = arith.constant 0 : i32
      %dma_wait3A_86 = tpu.memref_slice %dma_wait3A_84[%mul3A_51, %dma_wait3A_85] : memref<2048x128xf32, #tpu.memory_space<vmem_shared>> -> memref<256x128xf32, #tpu.memory_space<vmem_shared>>
      tpu.wait_dma2 semaphore(%run_scoped3A : memref<!tpu.dma_semaphore, #tpu.memory_space<semaphore_mem>>) src(%dma_wait3A_86 : memref<256x128xf32, #tpu.memory_space<vmem_shared>>) dst(%dma_wait3A_80 : memref<256x128xf32, #tpu.memory_space<hbm>>)
      tpu.yield
    }) : () -> ()
    %barrier3A_54 = arith.constant 0 : index
    tpu.barrier barrier_id(%barrier3A_54)
    %mul3A_55 = arith.constant 256 : i32
    %mul3A_56 = arith.muli %select_n3A_28, %mul3A_55 : i32
    "tpu.region"() ({
      %run_scoped3A = tpu.sem_alloc : memref<!tpu.dma_semaphore, #tpu.memory_space<semaphore_mem>>
      %dma_start3A = arith.constant 0 : i32
      %dma_start3A_71 = arith.constant 0 : i32
      %dma_start3A_72 = tpu.memref_slice %arg8[%select_n3A, %dma_start3A, %dma_start3A_71] : memref<2x2048x128xf32, #tpu.memory_space<vmem_shared>> -> memref<1x2048x128xf32, #tpu.memory_space<vmem_shared>>
      %dma_start3A_73 = tpu.memref_squeeze %dma_start3A_72 : memref<1x2048x128xf32, #tpu.memory_space<vmem_shared>> -> memref<2048x128xf32, #tpu.memory_space<vmem_shared>>
      %dma_start3A_74 = arith.constant 0 : i32
      %dma_start3A_75 = tpu.memref_slice %dma_start3A_73[%mul3A_56, %dma_start3A_74] : memref<2048x128xf32, #tpu.memory_space<vmem_shared>> -> memref<256x128xf32, #tpu.memory_space<vmem_shared>>
      %dma_start3A_76 = arith.constant 0 : i32
      %dma_start3A_77 = arith.constant 0 : i32
      %dma_start3A_78 = tpu.memref_slice %arg8[%select_n3A, %dma_start3A_76, %dma_start3A_77] : memref<2x2048x128xf32, #tpu.memory_space<vmem_shared>> -> memref<1x2048x128xf32, #tpu.memory_space<vmem_shared>>
      %dma_start3A_79 = tpu.memref_squeeze %dma_start3A_78 : memref<1x2048x128xf32, #tpu.memory_space<vmem_shared>> -> memref<2048x128xf32, #tpu.memory_space<vmem_shared>>
      %dma_start3A_80 = arith.constant 0 : i32
      %dma_start3A_81 = tpu.memref_slice %dma_start3A_79[%mul3A_56, %dma_start3A_80] : memref<2048x128xf32, #tpu.memory_space<vmem_shared>> -> memref<256x128xf32, #tpu.memory_space<vmem_shared>>
      tpu.enqueue_dma source(%arg7 : memref<256x128xf32, #tpu.memory_space<vmem>>) target(%dma_start3A_81 : memref<256x128xf32, #tpu.memory_space<vmem_shared>>) target_semaphore(%run_scoped3A : memref<!tpu.dma_semaphore, #tpu.memory_space<semaphore_mem>>)
      %dma_wait3A = arith.constant 0 : i32
      %dma_wait3A_82 = arith.constant 0 : i32
      %dma_wait3A_83 = tpu.memref_slice %arg8[%select_n3A, %dma_wait3A, %dma_wait3A_82] : memref<2x2048x128xf32, #tpu.memory_space<vmem_shared>> -> memref<1x2048x128xf32, #tpu.memory_space<vmem_shared>>
      %dma_wait3A_84 = tpu.memref_squeeze %dma_wait3A_83 : memref<1x2048x128xf32, #tpu.memory_space<vmem_shared>> -> memref<2048x128xf32, #tpu.memory_space<vmem_shared>>
      %dma_wait3A_85 = arith.constant 0 : i32
      %dma_wait3A_86 = tpu.memref_slice %dma_wait3A_84[%mul3A_56, %dma_wait3A_85] : memref<2048x128xf32, #tpu.memory_space<vmem_shared>> -> memref<256x128xf32, #tpu.memory_space<vmem_shared>>
      %dma_wait3A_87 = arith.constant 0 : i32
      %dma_wait3A_88 = arith.constant 0 : i32
      %dma_wait3A_89 = tpu.memref_slice %arg8[%select_n3A, %dma_wait3A_87, %dma_wait3A_88] : memref<2x2048x128xf32, #tpu.memory_space<vmem_shared>> -> memref<1x2048x128xf32, #tpu.memory_space<vmem_shared>>
      %dma_wait3A_90 = tpu.memref_squeeze %dma_wait3A_89 : memref<1x2048x128xf32, #tpu.memory_space<vmem_shared>> -> memref<2048x128xf32, #tpu.memory_space<vmem_shared>>
      %dma_wait3A_91 = arith.constant 0 : i32
      %dma_wait3A_92 = tpu.memref_slice %dma_wait3A_90[%mul3A_56, %dma_wait3A_91] : memref<2048x128xf32, #tpu.memory_space<vmem_shared>> -> memref<256x128xf32, #tpu.memory_space<vmem_shared>>
      tpu.wait_dma2 semaphore(%run_scoped3A : memref<!tpu.dma_semaphore, #tpu.memory_space<semaphore_mem>>) src(%arg7 : memref<256x128xf32, #tpu.memory_space<vmem>>) dst(%dma_wait3A_92 : memref<256x128xf32, #tpu.memory_space<vmem_shared>>)
      tpu.yield
    }) : () -> ()
    %barrier3A_57 = arith.constant 0 : index
    tpu.barrier barrier_id(%barrier3A_57)
    %scan3A_58 = arith.constant 0 : i32
    %scan3A_59 = arith.constant 0 : i32
    %scan3A_60 = arith.constant 4 : i32
    %scan3A_61 = arith.addi %scan3A_59, %scan3A_60 : i32
    %scan3A_62 = arith.constant 1 : i32
    %scan3A_63 = scf.for %scan3A_71 = %scan3A_59 to %scan3A_61 step %scan3A_62 iter_args(%scan3A_72 = %scan3A_58) -> (i32)  : i32 {
      %mul3A_73 = arith.constant 512 : i32
      %mul3A_74 = arith.muli %select_n3A_28, %mul3A_73 : i32
      %mul3A_75 = arith.constant 128 : i32
      %mul3A_76 = arith.muli %scan3A_71, %mul3A_75 : i32
      %add3A_77 = arith.addi %mul3A_74, %mul3A_76 : i32
      "tpu.region"() ({
        %run_scoped3A = tpu.sem_alloc : memref<!tpu.dma_semaphore, #tpu.memory_space<semaphore_mem>>
        %dma_start3A = arith.constant 128 : i32
        %dma_start3A_79 = tpu.memref_slice %arg3[%add3A_30, %add3A_77, %dma_start3A] : memref<4x4096x256xf32, #tpu.memory_space<hbm>> -> memref<1x128x128xf32, #tpu.memory_space<hbm>>
        %dma_start3A_80 = tpu.memref_squeeze %dma_start3A_79 : memref<1x128x128xf32, #tpu.memory_space<hbm>> -> memref<128x128xf32, #tpu.memory_space<hbm>>
        %dma_start3A_81 = arith.constant 128 : i32
        %dma_start3A_82 = tpu.memref_slice %arg3[%add3A_30, %add3A_77, %dma_start3A_81] : memref<4x4096x256xf32, #tpu.memory_space<hbm>> -> memref<1x128x128xf32, #tpu.memory_space<hbm>>
        %dma_start3A_83 = tpu.memref_squeeze %dma_start3A_82 : memref<1x128x128xf32, #tpu.memory_space<hbm>> -> memref<128x128xf32, #tpu.memory_space<hbm>>
        tpu.enqueue_dma source(%dma_start3A_83 : memref<128x128xf32, #tpu.memory_space<hbm>>) target(%arg6 : memref<128x128xf32, #tpu.memory_space<vmem>>) target_semaphore(%run_scoped3A : memref<!tpu.dma_semaphore, #tpu.memory_space<semaphore_mem>>)
        %dma_wait3A = arith.constant 128 : i32
        %dma_wait3A_84 = tpu.memref_slice %arg3[%add3A_30, %add3A_77, %dma_wait3A] : memref<4x4096x256xf32, #tpu.memory_space<hbm>> -> memref<1x128x128xf32, #tpu.memory_space<hbm>>
        %dma_wait3A_85 = tpu.memref_squeeze %dma_wait3A_84 : memref<1x128x128xf32, #tpu.memory_space<hbm>> -> memref<128x128xf32, #tpu.memory_space<hbm>>
        %dma_wait3A_86 = arith.constant 128 : i32
        %dma_wait3A_87 = tpu.memref_slice %arg3[%add3A_30, %add3A_77, %dma_wait3A_86] : memref<4x4096x256xf32, #tpu.memory_space<hbm>> -> memref<1x128x128xf32, #tpu.memory_space<hbm>>
        %dma_wait3A_88 = tpu.memref_squeeze %dma_wait3A_87 : memref<1x128x128xf32, #tpu.memory_space<hbm>> -> memref<128x128xf32, #tpu.memory_space<hbm>>
        tpu.wait_dma2 semaphore(%run_scoped3A : memref<!tpu.dma_semaphore, #tpu.memory_space<semaphore_mem>>) src(%dma_wait3A_88 : memref<128x128xf32, #tpu.memory_space<hbm>>) dst(%arg6 : memref<128x128xf32, #tpu.memory_space<vmem>>)
        tpu.yield
      }) : () -> ()
      "tpu.region"() ({
        %run_scoped3A = tpu.sem_alloc : memref<!tpu.dma_semaphore, #tpu.memory_space<semaphore_mem>>
        %dma_start3A = arith.constant 0 : i32
        %dma_start3A_79 = tpu.memref_slice %arg5[%scan3A_71, %dma_start3A] : memref<4x128xi32, #tpu.memory_space<vmem>> -> memref<1x128xi32, #tpu.memory_space<vmem>>
        %dma_start3A_80 = tpu.memref_squeeze %dma_start3A_79 : memref<1x128xi32, #tpu.memory_space<vmem>> -> memref<128xi32, #tpu.memory_space<vmem>>
        %dma_start3A_81 = arith.constant 0 : i32
        %dma_start3A_82 = arith.constant 0 : i32
        %dma_start3A_83 = tpu.memref_slice %arg8[%select_n3A, %dma_start3A_81, %dma_start3A_82] : memref<2x2048x128xf32, #tpu.memory_space<vmem_shared>> -> memref<1x2048x128xf32, #tpu.memory_space<vmem_shared>>
        %dma_start3A_84 = tpu.memref_squeeze %dma_start3A_83 : memref<1x2048x128xf32, #tpu.memory_space<vmem_shared>> -> memref<2048x128xf32, #tpu.memory_space<vmem_shared>>
        %dma_start3A_85 = arith.constant 0 : i32
        %dma_start3A_86 = arith.constant 0 : i32
        %dma_start3A_87 = tpu.memref_slice %dma_start3A_84[%dma_start3A_85, %dma_start3A_86] : memref<2048x128xf32, #tpu.memory_space<vmem_shared>> -> memref<2048x128xf32, #tpu.memory_space<vmem_shared>>
        tpu.enqueue_indirect_dma source(%arg6 : memref<128x128xf32, #tpu.memory_space<vmem>>) target(%dma_start3A_87 : memref<2048x128xf32, #tpu.memory_space<vmem_shared>>) offsets(%dma_start3A_80 : memref<128xi32, #tpu.memory_space<vmem>>) semaphore(%run_scoped3A : memref<!tpu.dma_semaphore, #tpu.memory_space<semaphore_mem>>) {add = true}
        %dma_wait3A = arith.constant 0 : i32
        %dma_wait3A_88 = tpu.memref_slice %arg5[%scan3A_71, %dma_wait3A] : memref<4x128xi32, #tpu.memory_space<vmem>> -> memref<1x128xi32, #tpu.memory_space<vmem>>
        %dma_wait3A_89 = tpu.memref_squeeze %dma_wait3A_88 : memref<1x128xi32, #tpu.memory_space<vmem>> -> memref<128xi32, #tpu.memory_space<vmem>>
        %dma_wait3A_90 = arith.constant 0 : i32
        %dma_wait3A_91 = arith.constant 0 : i32
        %dma_wait3A_92 = tpu.memref_slice %arg8[%select_n3A, %dma_wait3A_90, %dma_wait3A_91] : memref<2x2048x128xf32, #tpu.memory_space<vmem_shared>> -> memref<1x2048x128xf32, #tpu.memory_space<vmem_shared>>
        %dma_wait3A_93 = tpu.memref_squeeze %dma_wait3A_92 : memref<1x2048x128xf32, #tpu.memory_space<vmem_shared>> -> memref<2048x128xf32, #tpu.memory_space<vmem_shared>>
        %dma_wait3A_94 = arith.constant 0 : i32
        %dma_wait3A_95 = arith.constant 0 : i32
        %dma_wait3A_96 = tpu.memref_slice %dma_wait3A_93[%dma_wait3A_94, %dma_wait3A_95] : memref<2048x128xf32, #tpu.memory_space<vmem_shared>> -> memref<2048x128xf32, #tpu.memory_space<vmem_shared>>
        tpu.wait_indirect_dma semaphore(%run_scoped3A : memref<!tpu.dma_semaphore, #tpu.memory_space<semaphore_mem>>) src(%arg6 : memref<128x128xf32, #tpu.memory_space<vmem>>) dst(%dma_wait3A_96 : memref<2048x128xf32, #tpu.memory_space<vmem_shared>>)
        tpu.yield
      }) : () -> ()
      %scan3A_78 = arith.constant 0 : i32
      scf.yield %scan3A_78 : i32
    }
    %scan3A_64 = arith.constant 4 : i32
    %barrier3A_65 = arith.constant 0 : index
    tpu.barrier barrier_id(%barrier3A_65)
    %mul3A_66 = arith.constant 256 : i32
    %mul3A_67 = arith.muli %select_n3A_28, %mul3A_66 : i32
    %mul3A_68 = arith.constant 256 : i32
    %mul3A_69 = arith.muli %select_n3A_28, %mul3A_68 : i32
    "tpu.region"() ({
      %run_scoped3A = tpu.sem_alloc : memref<!tpu.dma_semaphore, #tpu.memory_space<semaphore_mem>>
      %dma_start3A = arith.constant 128 : i32
      %dma_start3A_71 = tpu.memref_slice %arg4[%add3A_30, %mul3A_69, %dma_start3A] : memref<4x2048x256xf32, #tpu.memory_space<hbm>> -> memref<1x256x128xf32, #tpu.memory_space<hbm>>
      %dma_start3A_72 = tpu.memref_squeeze %dma_start3A_71 : memref<1x256x128xf32, #tpu.memory_space<hbm>> -> memref<256x128xf32, #tpu.memory_space<hbm>>
      %dma_start3A_73 = arith.constant 0 : i32
      %dma_start3A_74 = arith.constant 0 : i32
      %dma_start3A_75 = tpu.memref_slice %arg8[%select_n3A, %dma_start3A_73, %dma_start3A_74] : memref<2x2048x128xf32, #tpu.memory_space<vmem_shared>> -> memref<1x2048x128xf32, #tpu.memory_space<vmem_shared>>
      %dma_start3A_76 = tpu.memref_squeeze %dma_start3A_75 : memref<1x2048x128xf32, #tpu.memory_space<vmem_shared>> -> memref<2048x128xf32, #tpu.memory_space<vmem_shared>>
      %dma_start3A_77 = arith.constant 0 : i32
      %dma_start3A_78 = tpu.memref_slice %dma_start3A_76[%mul3A_67, %dma_start3A_77] : memref<2048x128xf32, #tpu.memory_space<vmem_shared>> -> memref<256x128xf32, #tpu.memory_space<vmem_shared>>
      tpu.enqueue_dma source(%dma_start3A_78 : memref<256x128xf32, #tpu.memory_space<vmem_shared>>) target(%dma_start3A_72 : memref<256x128xf32, #tpu.memory_space<hbm>>) target_semaphore(%run_scoped3A : memref<!tpu.dma_semaphore, #tpu.memory_space<semaphore_mem>>)
      %dma_wait3A = arith.constant 128 : i32
      %dma_wait3A_79 = tpu.memref_slice %arg4[%add3A_30, %mul3A_69, %dma_wait3A] : memref<4x2048x256xf32, #tpu.memory_space<hbm>> -> memref<1x256x128xf32, #tpu.memory_space<hbm>>
      %dma_wait3A_80 = tpu.memref_squeeze %dma_wait3A_79 : memref<1x256x128xf32, #tpu.memory_space<hbm>> -> memref<256x128xf32, #tpu.memory_space<hbm>>
      %dma_wait3A_81 = arith.constant 0 : i32
      %dma_wait3A_82 = arith.constant 0 : i32
      %dma_wait3A_83 = tpu.memref_slice %arg8[%select_n3A, %dma_wait3A_81, %dma_wait3A_82] : memref<2x2048x128xf32, #tpu.memory_space<vmem_shared>> -> memref<1x2048x128xf32, #tpu.memory_space<vmem_shared>>
      %dma_wait3A_84 = tpu.memref_squeeze %dma_wait3A_83 : memref<1x2048x128xf32, #tpu.memory_space<vmem_shared>> -> memref<2048x128xf32, #tpu.memory_space<vmem_shared>>
      %dma_wait3A_85 = arith.constant 0 : i32
      %dma_wait3A_86 = tpu.memref_slice %dma_wait3A_84[%mul3A_67, %dma_wait3A_85] : memref<2048x128xf32, #tpu.memory_space<vmem_shared>> -> memref<256x128xf32, #tpu.memory_space<vmem_shared>>
      tpu.wait_dma2 semaphore(%run_scoped3A : memref<!tpu.dma_semaphore, #tpu.memory_space<semaphore_mem>>) src(%dma_wait3A_86 : memref<256x128xf32, #tpu.memory_space<vmem_shared>>) dst(%dma_wait3A_80 : memref<256x128xf32, #tpu.memory_space<hbm>>)
      tpu.yield
    }) : () -> ()
    %barrier3A_70 = arith.constant 0 : index
    tpu.barrier barrier_id(%barrier3A_70)
    return
  }
}

module attributes {stable_mosaic.version = 14 : i64} {
  func.func @_argmin_body(%arg0: i32, %arg1: memref<1x2048x1xf32, #tpu.memory_space<vmem>>, %arg2: memref<1x1x4096xf32, #tpu.memory_space<vmem>>, %arg3: memref<1x32x128xi32, #tpu.memory_space<vmem>>, %arg4: memref<1x2048x1xf32, #tpu.memory_space<vmem>>) attributes {dimension_semantics = [#tpu.dimension_semantics<arbitrary>], iteration_bounds = array<i64: 4>, scalar_prefetch = 0 : i64, scratch_operands = 0 : i64, tpu.core_type = #tpu.core_type<tc>, window_params = [{transform_indices = @transform_0, window_bounds = array<i64: 1, 2048, 1>}, {transform_indices = @transform_1, window_bounds = array<i64: 1, 1, 4096>}, {transform_indices = @transform_2, window_bounds = array<i64: 1, 32, 128>}, {transform_indices = @transform_3, window_bounds = array<i64: 1, 2048, 1>}]} {
    %get3A = arith.constant 0 : index
    %get3A_0 = arith.constant 0 : index
    %get3A_1 = arith.constant 0 : index
    %get3A_2 = vector.load %arg1[%get3A, %get3A_0, %get3A_1] : memref<1x2048x1xf32, #tpu.memory_space<vmem>>, vector<1x2048x1xf32>
    %get3A_3 = vector.shape_cast %get3A_2 : vector<1x2048x1xf32> to vector<2048x1xf32>
    %iota3A = tpu.iota {dimensions = array<i32: 0>} : vector<2048x1xi32>
    %convert_element_type3A = arith.sitofp %iota3A : vector<2048x1xi32> to vector<2048x1xf32>
    %broadcast_in_dim3A = arith.constant 0.000000e+00 : f32
    %broadcast_in_dim3A_4 = vector.broadcast %broadcast_in_dim3A : f32 to vector<2048x1xf32>
    %swap3A = arith.constant 0 : index
    %swap3A_5 = arith.constant 0 : index
    %swap3A_6 = arith.constant 0 : index
    %swap3A_7 = vector.load %arg4[%swap3A, %swap3A_5, %swap3A_6] : memref<1x2048x1xf32, #tpu.memory_space<vmem>>, vector<1x2048x1xf32>
    %swap3A_8 = vector.shape_cast %swap3A_7 : vector<1x2048x1xf32> to vector<2048x1xf32>
    %swap3A_9 = vector.shape_cast %broadcast_in_dim3A_4 : vector<2048x1xf32> to vector<1x2048x1xf32>
    tpu.vector_store %arg4[%swap3A, %swap3A_5, %swap3A_6], %swap3A_9 {strides = array<i32>} : memref<1x2048x1xf32, #tpu.memory_space<vmem>>, vector<1x2048x1xf32>,
    %scan3A = arith.constant 0 : i32
    %scan3A_10 = arith.constant 4 : i32
    %scan3A_11 = arith.addi %scan3A, %scan3A_10 : i32
    %scan3A_12 = arith.constant 1 : i32
    scf.for %scan3A_14 = %scan3A to %scan3A_11 step %scan3A_12  : i32 {
      %mul3A = arith.constant 1024 : i32
      %mul3A_15 = arith.muli %scan3A_14, %mul3A : i32
      %get3A_16 = arith.constant 0 : index
      %get3A_17 = arith.constant 0 : index
      %get3A_18 = arith.index_cast %mul3A_15 : i32 to index
      %get3A_19 = vector.load %arg2[%get3A_16, %get3A_17, %get3A_18] : memref<1x1x4096xf32, #tpu.memory_space<vmem>>, vector<1x1x1024xf32>
      %get3A_20 = vector.shape_cast %get3A_19 : vector<1x1x1024xf32> to vector<1x1024xf32>
      %sub3A = vector.broadcast %get3A_3 : vector<2048x1xf32> to vector<2048x1024xf32>
      %sub3A_21 = vector.broadcast %get3A_20 : vector<1x1024xf32> to vector<2048x1024xf32>
      %sub3A_22 = arith.subf %sub3A, %sub3A_21 : vector<2048x1024xf32>
      %abs3A = math.absf %sub3A_22 : vector<2048x1024xf32>
      %reduce_min3A = arith.constant dense<0x7F800000> : vector<1024xf32>
      %reduce_min3A_23 = vector.multi_reduction <minimumf>, %abs3A, %reduce_min3A [0] : vector<2048x1024xf32> to vector<1024xf32>
      %broadcast_in_dim3A_24 = vector.shape_cast %reduce_min3A_23 : vector<1024xf32> to vector<1x1024xf32>
      %eq3A = vector.broadcast %broadcast_in_dim3A_24 : vector<1x1024xf32> to vector<2048x1024xf32>
      %eq3A_25 = arith.cmpf oeq, %abs3A, %eq3A : vector<2048x1024xf32>
      %jit3A = arith.constant 2.048000e+03 : f32
      %broadcast_in_dim3A_26 = vector.shape_cast %convert_element_type3A : vector<2048x1xf32> to vector<2048x1xf32>
      %broadcast_in_dim3A_27 = vector.broadcast %broadcast_in_dim3A_26 : vector<2048x1xf32> to vector<2048x1024xf32>
      %broadcast_in_dim3A_28 = vector.broadcast %jit3A : f32 to vector<2048x1024xf32>
      %select_n3A = arith.select %eq3A_25, %broadcast_in_dim3A_27, %broadcast_in_dim3A_28 : vector<2048x1024xi1>, vector<2048x1024xf32>
      %reduce_min3A_29 = arith.constant dense<0x7F800000> : vector<1024xf32>
      %reduce_min3A_30 = vector.multi_reduction <minimumf>, %select_n3A, %reduce_min3A_29 [0] : vector<2048x1024xf32> to vector<1024xf32>
      %broadcast_in_dim3A_31 = vector.shape_cast %reduce_min3A_30 : vector<1024xf32> to vector<1x1024xf32>
      %eq3A_32 = vector.broadcast %convert_element_type3A : vector<2048x1xf32> to vector<2048x1024xf32>
      %eq3A_33 = vector.broadcast %broadcast_in_dim3A_31 : vector<1x1024xf32> to vector<2048x1024xf32>
      %eq3A_34 = arith.cmpf oeq, %eq3A_32, %eq3A_33 : vector<2048x1024xf32>
      %convert_element_type3A_35 = arith.extui %eq3A_34 : vector<2048x1024xi1> to vector<2048x1024xi32>
      %convert_element_type3A_36 = arith.sitofp %convert_element_type3A_35 : vector<2048x1024xi32> to vector<2048x1024xf32>
      %get3A_37 = arith.constant 0 : index
      %get3A_38 = arith.constant 0 : index
      %get3A_39 = arith.constant 0 : index
      %get3A_40 = vector.load %arg4[%get3A_37, %get3A_38, %get3A_39] : memref<1x2048x1xf32, #tpu.memory_space<vmem>>, vector<1x2048x1xf32>
      %get3A_41 = vector.shape_cast %get3A_40 : vector<1x2048x1xf32> to vector<2048x1xf32>
      %reduce_sum3A = arith.constant dense<0.000000e+00> : vector<2048xf32>
      %reduce_sum3A_42 = vector.multi_reduction <add>, %convert_element_type3A_36, %reduce_sum3A [1] : vector<2048x1024xf32> to vector<2048xf32>
      %broadcast_in_dim3A_43 = vector.shape_cast %reduce_sum3A_42 : vector<2048xf32> to vector<2048x1xf32>
      %add3A = arith.addf %get3A_41, %broadcast_in_dim3A_43 : vector<2048x1xf32>
      %swap3A_44 = arith.constant 0 : index
      %swap3A_45 = arith.constant 0 : index
      %swap3A_46 = arith.constant 0 : index
      %swap3A_47 = vector.load %arg4[%swap3A_44, %swap3A_45, %swap3A_46] : memref<1x2048x1xf32, #tpu.memory_space<vmem>>, vector<1x2048x1xf32>
      %swap3A_48 = vector.shape_cast %swap3A_47 : vector<1x2048x1xf32> to vector<2048x1xf32>
      %swap3A_49 = vector.shape_cast %add3A : vector<2048x1xf32> to vector<1x2048x1xf32>
      tpu.vector_store %arg4[%swap3A_44, %swap3A_45, %swap3A_46], %swap3A_49 {strides = array<i32>} : memref<1x2048x1xf32, #tpu.memory_space<vmem>>, vector<1x2048x1xf32>,
      %convert_element_type3A_50 = arith.fptosi %broadcast_in_dim3A_31 : vector<1x1024xf32> to vector<1x1024xi32>
      %reshape3A = vector.shape_cast %convert_element_type3A_50 : vector<1x1024xi32> to vector<8x128xi32>
      %mul3A_51 = arith.constant 8 : i32
      %mul3A_52 = arith.muli %scan3A_14, %mul3A_51 : i32
      %swap3A_53 = arith.constant 0 : index
      %swap3A_54 = arith.index_cast %mul3A_52 : i32 to index
      %swap3A_55 = arith.constant 0 : index
      %swap3A_56 = vector.load %arg3[%swap3A_53, %swap3A_54, %swap3A_55] : memref<1x32x128xi32, #tpu.memory_space<vmem>>, vector<1x8x128xi32>
      %swap3A_57 = vector.shape_cast %swap3A_56 : vector<1x8x128xi32> to vector<8x128xi32>
      %swap3A_58 = vector.shape_cast %reshape3A : vector<8x128xi32> to vector<1x8x128xi32>
      tpu.vector_store %arg3[%swap3A_53, %swap3A_54, %swap3A_55], %swap3A_58 {strides = array<i32>} : memref<1x32x128xi32, #tpu.memory_space<vmem>>, vector<1x8x128xi32>,
    }
    %scan3A_13 = arith.constant 4 : i32
    return
  }
  func.func @transform_0(%arg0: i32) -> (i32, i32, i32) {
    %c0_i32 = arith.constant 0 : i32
    %c0_i32_0 = arith.constant 0 : i32
    %c0_i32_1 = arith.constant 0 : i32
    return %arg0, %c0_i32, %c0_i32_0 : i32, i32, i32
  }
  func.func @transform_1(%arg0: i32) -> (i32, i32, i32) {
    %c0_i32 = arith.constant 0 : i32
    %c0_i32_0 = arith.constant 0 : i32
    %c0_i32_1 = arith.constant 0 : i32
    return %arg0, %c0_i32, %c0_i32_0 : i32, i32, i32
  }
  func.func @transform_2(%arg0: i32) -> (i32, i32, i32) {
    %c0_i32 = arith.constant 0 : i32
    %c0_i32_0 = arith.constant 0 : i32
    %c0_i32_1 = arith.constant 0 : i32
    return %arg0, %c0_i32, %c0_i32_0 : i32, i32, i32
  }
  func.func @transform_3(%arg0: i32) -> (i32, i32, i32) {
    %c0_i32 = arith.constant 0 : i32
    %c0_i32_0 = arith.constant 0 : i32
    %c0_i32_1 = arith.constant 0 : i32
    return %arg0, %c0_i32, %c0_i32_0 : i32, i32, i32
  }
}

module attributes {stable_mosaic.version = 14 : i64} {
  func.func @_divide_body(%arg0: i32, %arg1: memref<1x2048x256xf32, #tpu.memory_space<vmem>>, %arg2: memref<1x2048x1xf32, #tpu.memory_space<vmem>>, %arg3: memref<1x2048x256xf32, #tpu.memory_space<vmem>>) attributes {dimension_semantics = [#tpu.dimension_semantics<arbitrary>], iteration_bounds = array<i64: 4>, scalar_prefetch = 0 : i64, scratch_operands = 0 : i64, tpu.core_type = #tpu.core_type<tc>, window_params = [{transform_indices = @transform_0, window_bounds = array<i64: 1, 2048, 256>}, {transform_indices = @transform_1, window_bounds = array<i64: 1, 2048, 1>}, {transform_indices = @transform_2, window_bounds = array<i64: 1, 2048, 256>}]} {
    %get3A = arith.constant 0 : index
    %get3A_0 = arith.constant 0 : index
    %get3A_1 = arith.constant 0 : index
    %get3A_2 = vector.load %arg1[%get3A, %get3A_0, %get3A_1] : memref<1x2048x256xf32, #tpu.memory_space<vmem>>, vector<1x2048x256xf32>
    %get3A_3 = vector.shape_cast %get3A_2 : vector<1x2048x256xf32> to vector<2048x256xf32>
    %get3A_4 = arith.constant 0 : index
    %get3A_5 = arith.constant 0 : index
    %get3A_6 = arith.constant 0 : index
    %get3A_7 = vector.load %arg2[%get3A_4, %get3A_5, %get3A_6] : memref<1x2048x1xf32, #tpu.memory_space<vmem>>, vector<1x2048x1xf32>
    %get3A_8 = vector.shape_cast %get3A_7 : vector<1x2048x1xf32> to vector<2048x1xf32>
    %max3A = arith.constant 1.000000e+00 : f32
    %max3A_9 = vector.broadcast %max3A : f32 to vector<2048x1xf32>
    %max3A_10 = arith.maximumf %get3A_8, %max3A_9 : vector<2048x1xf32>
    %div3A = vector.broadcast %max3A_10 : vector<2048x1xf32> to vector<2048x256xf32>
    %div3A_11 = arith.divf %get3A_3, %div3A : vector<2048x256xf32>
    %swap3A = arith.constant 0 : index
    %swap3A_12 = arith.constant 0 : index
    %swap3A_13 = arith.constant 0 : index
    %swap3A_14 = vector.load %arg3[%swap3A, %swap3A_12, %swap3A_13] : memref<1x2048x256xf32, #tpu.memory_space<vmem>>, vector<1x2048x256xf32>
    %swap3A_15 = vector.shape_cast %swap3A_14 : vector<1x2048x256xf32> to vector<2048x256xf32>
    %swap3A_16 = vector.shape_cast %div3A_11 : vector<2048x256xf32> to vector<1x2048x256xf32>
    tpu.vector_store %arg3[%swap3A, %swap3A_12, %swap3A_13], %swap3A_16 {strides = array<i32>} : memref<1x2048x256xf32, #tpu.memory_space<vmem>>, vector<1x2048x256xf32>,
    return
  }
  func.func @transform_0(%arg0: i32) -> (i32, i32, i32) {
    %c0_i32 = arith.constant 0 : i32
    %c0_i32_0 = arith.constant 0 : i32
    %c0_i32_1 = arith.constant 0 : i32
    return %arg0, %c0_i32, %c0_i32_0 : i32, i32, i32
  }
  func.func @transform_1(%arg0: i32) -> (i32, i32, i32) {
    %c0_i32 = arith.constant 0 : i32
    %c0_i32_0 = arith.constant 0 : i32
    %c0_i32_1 = arith.constant 0 : i32
    return %arg0, %c0_i32, %c0_i32_0 : i32, i32, i32
  }
  func.func @transform_2(%arg0: i32) -> (i32, i32, i32) {
    %c0_i32 = arith.constant 0 : i32
    %c0_i32_0 = arith.constant 0 : i32
    %c0_i32_1 = arith.constant 0 : i32
    return %arg0, %c0_i32, %c0_i32_0 : i32, i32, i32
  }
}

</mosaic_0001>

<sc_bundles>
// kernel: kernel.11.cloned.1.call-start
scs
__scs_entry_jumppad:
0x0: {  	(pc) =	sbr.rel $0x88, $3  }
0x1: {  	(tag) =	ssettag $0x0;
	lr =	simm.s32 $0x1  }
0x2: {  	[smem:$0x3F9E] =	sst lr;
	_ =	strace $0xD0000000  }
0x3: {  	_ = 	snop  }
0x4: {  	_ = 	snop  }
0x5: {  	_ = 	snop  }
0x6: {  	_ = 	snop  }
0x7: {  	_ = 	snop  }
__scs_overlays_trampoline_lowered:
0x8: {  	[smem:$0x3FAD] =	sst s0  }
0x9: {  	[smem:$0x3FAE] =	sst s1  }
0xa: {  	[smem:$0x3FAF] =	sst s2  }
0xb: {  	[smem:$0x3FB0] =	sst s3  }
0xc: {  	[smem:$0x3FB1] =	sst s4  }
0xd: {  	[smem:$0x3FB2] =	sst s5  }
0xe: {  	[smem:$0x3FB3] =	sst s6  }
0xf: {  	[smem:$0x3FB4] =	sst s7  }
0x10: {  	[smem:$0x3FB5] =	sst s8  }
0x11: {  	[smem:$0x3FB6] =	sst s9;
	s0 =	simm.s32 @!p0 $0x0  }
0x12: {  	s1 =	sld [smem:$0x3F9C];
	s0 =	simm.s32 @p0 $0x1  }
0x13: {  	[smem:$0x3FB7] =	sst s0;
	s0 =	simm.s32 @!p1 $0x0  }
0x14: {  	s2 =	sld [smem:$0x3F9B];
	s0 =	simm.s32 @p1 $0x1  }
0x15: {  	[smem:$0x3FB8] =	sst s0;
	s0 =	simm.s32 @!p2 $0x0  }
0x16: {  	s3 =	sld [smem:$0x3FDB];
	s0 =	simm.s32 @p2 $0x1  }
0x17: {  	s4 =	simm.s32 $0x1BF5;
	[smem:$0x3FBA] =	sst s0  }
0x18: {  	s0 =	sld [smem:$0x3F9D];
	_ =	swait.ge [sflag:s4], $0x0  }
0x19: {  	s7 =	sld [smem:$0x3F9E]  }
0x1a: {  	s8 =	sadd.s32 $0xFFFFE003, lr  }
0x1b: {  	s9 =	sadd.s32 $0xFFFFFEF7, lr;
	s5 =	simm.s32 $0xFFFFFFFF;
	p2 =	slt.u32 s8, $0xFFFFF086  }
0x1c: {  	p1 =	slt.u32 s9, $0xF7A;
	s5 =	simm.s32 @!p2 $0x0  }
0x1d: {  	s5 =	simm.s32 @p1 $0x1;
	p0 =	seq.s32 s7, s2  }
0x1e: {  	s7 =	smul.u32 @!p0 $0xF7A, s2;
	p2 =	seq.s32 @!p0 s5, $0x0  }
0x1f: {  	s9 =	smul.u32 $0xF7A, s1;
	s8 =	simm.s32 @!p0 $0x1BF5;
	p2 =	por !p2, p0  }
0x20: {  	[sflag:s8] =	ssyncset.s32 @!p0 $0xFFFFF086;
	s6 =	sadd.s32 @!p0 s3, s7;
	s7 =	simm.s32 @!p0 $0x108  }
0x21: {  	s3 =	sadd.s32 s3, s9;
	s6 =	sadd.s32 @!p0 $0x88, s6;
	s7 =	simm.s32 @p2 $0x1082  }
0x22: {  	[simem:s7], [sflag:s8] =	dma.local @!p0 [hbm:s6], $0xF7A  }
0x23: {  	s9 =	sor.u32 $0xD0000000, s2;
	s6 =	simm.s32 $0x108;
	_ =	swait.ge @!p0 [sflag:s8], $0x0  }
0x24: {  	s3 =	sadd.s32 $0x88, s3;
	s6 =	simm.s32 @!p1 $0x1082;
	[sflag:s4] =	ssyncset.s32 $0xFFFFF086  }
0x25: {  	[simem:s6], [sflag:s4] =	dma.local [hbm:s3], $0xF7A  }
0x26: {  	[smem:$0x3F9E] =	sst s1;
	(tag) =	ssettag s2;
	_ =	strace s9  }
0x27: {  	s1 =	sld [smem:$0x3FAE]  }
0x28: {  	s2 =	sld [smem:$0x3FAF]  }
0x29: {  	s4 =	sld [smem:$0x3FB1]  }
0x2a: {  	p0 =	seq.s32 s5, $0x0;
	s5 =	sld [smem:$0x3FB2]  }
0x2b: {  	s6 =	sld [smem:$0x3FB3]  }
0x2c: {  	s7 =	sld [smem:$0x3FB4]  }
0x2d: {  	s3 =	simm.s32 $0x108;
	s8 =	sld [smem:$0x3FB5]  }
0x2e: {  	s3 =	simm.s32 @!p0 $0x1082;
	s9 =	sld [smem:$0x3FB6]  }
0x2f: {  	lr =	sadd.s32 s0, s3;
	s0 =	sld [smem:$0x3FAD]  }
0x30: {  	s3 =	sld [smem:$0x3FB0]  }
0x31: {  	[smem:$0x3FB9] =	sst s10  }
0x32: {  	s10 =	sld [smem:$0x3FB7];
	_ =	sdelay $0x3  }
0x33: {  	p0 =	seq.s32 s10, $0x1;
	s10 =	sld [smem:$0x3FB9];
	_ =	sdelay $0x3  }
0x34: {  	[smem:$0x3FB9] =	sst s10  }
0x35: {  	s10 =	sld [smem:$0x3FB8];
	_ =	sdelay $0x3  }
0x36: {  	p1 =	seq.s32 s10, $0x1;
	s10 =	sld [smem:$0x3FB9];
	_ =	sdelay $0x3  }
0x37: {  	[smem:$0x3FB9] =	sst s10  }
0x38: {  	s10 =	sld [smem:$0x3FBA]  }
0x39: {  	_ = 	snop;
	(pc) =	sbr.ind lr, $3  }
0x3a: {  	_ = 	snop  }
0x3b: {  	_ = 	snop  }
0x3c: {  	p2 =	seq.s32 s10, $0x1;
	s10 =	sld [smem:$0x3FB9]  }
0x3d: {  	_ =	shalt  }
0x3e: {  	_ =	shalt  }
0x3f: {  	_ =	shalt  }
0x40: {  	_ =	shalt  }
0x41: {  	_ =	shalt  }
0x42: {  	_ =	shalt  }
0x43: {  	_ =	shalt  }
0x44: {  	_ =	shalt  }
0x45: {  	_ =	shalt  }
0x46: {  	_ =	shalt  }
0x47: {  	_ =	shalt  }
0x48: {  	_ =	shalt  }
0x49: {  	_ =	shalt  }
0x4a: {  	_ =	shalt  }
0x4b: {  	_ =	shalt  }
0x4c: {  	_ =	shalt  }
0x4d: {  	_ =	shalt  }
0x4e: {  	_ =	shalt  }
0x4f: {  	_ =	shalt  }
0x50: {  	_ =	shalt  }
0x51: {  	_ =	shalt  }
0x52: {  	_ =	shalt  }
0x53: {  	_ =	shalt  }
0x54: {  	_ =	shalt  }
0x55: {  	_ =	shalt  }
0x56: {  	_ =	shalt  }
0x57: {  	_ =	shalt  }
0x58: {  	_ =	shalt  }
0x59: {  	_ =	shalt  }
0x5a: {  	_ =	shalt  }
0x5b: {  	_ =	shalt  }
0x5c: {  	_ =	shalt  }
0x5d: {  	_ =	shalt  }
0x5e: {  	_ =	shalt  }
0x5f: {  	_ =	shalt  }
0x60: {  	_ =	shalt  }
0x61: {  	_ =	shalt  }
0x62: {  	_ =	shalt  }
0x63: {  	_ =	shalt  }
0x64: {  	_ =	shalt  }
0x65: {  	_ =	shalt  }
0x66: {  	_ =	shalt  }
0x67: {  	_ =	shalt  }
0x68: {  	_ =	shalt  }
0x69: {  	_ =	shalt  }
0x6a: {  	_ =	shalt  }
0x6b: {  	_ =	shalt  }
0x6c: {  	_ =	shalt  }
0x6d: {  	_ =	shalt  }
0x6e: {  	_ =	shalt  }
0x6f: {  	_ =	shalt  }
0x70: {  	_ =	shalt  }
0x71: {  	_ =	shalt  }
0x72: {  	_ =	shalt  }
0x73: {  	_ =	shalt  }
0x74: {  	_ =	shalt  }
0x75: {  	_ =	shalt  }
0x76: {  	_ =	shalt  }
0x77: {  	_ =	shalt  }
0x78: {  	_ =	shalt  }
0x79: {  	_ =	shalt  }
0x7a: {  	_ =	shalt  }
0x7b: {  	_ =	shalt  }
0x7c: {  	_ =	shalt  }
0x7d: {  	_ =	shalt  }
0x7e: {  	_ =	shalt  }
0x7f: {  	_ =	shalt  }
0x80: {  	_ =	shalt  }
0x81: {  	_ =	shalt  }
0x82: {  	_ =	shalt  }
0x83: {  	_ =	shalt  }
0x84: {  	_ =	shalt  }
0x85: {  	_ =	shalt  }
0x86: {  	_ =	shalt  }
0x87: {  	_ =	shalt  }
.Lfunc_end0:
.L_simem_size_0:
called_computation.1_lowered:
.L_overlay_start_0:
0x88: {  	s2 =	sld [smem:$0x3FD9]  }
0x89: {  	s3 =	sld [smem:$0x3FFE];
	_ =	sdelay $0x1  }
0x8a: {  	s1 =	srdreg.scid  }
0x8b: {  	s0 =	sand.u32 $0x1, s1  }
0x8c: {  	s17 =	sshll.u32 s0, $0xA;
	s2 =	sadd.s32 s3, s2  }
0x8d: {  	s2 =	sadd.s32 s2, s17  }
0x8e: {  	[smem:$0x3FC5] =	sst s2  }
0x8f: {  	_ = 	snop  }
0x90: {  	(tm) =	ssettm $0x1  }
0x91: {  	s18 =	sld [smem:$0x3FFB];
	_ =	sdelay $0x3  }
0x92: {  	_ =	strace s18  }
0x93: {  	s2 =	sld [smem:$0x3FFC];
	_ =	sdelay $0x3  }
0x94: {  	_ =	strace s2  }
0x95: {  	s2 =	sld [smem:$0x3FFD];
	_ =	sdelay $0x3  }
0x96: {  	_ =	strace s2  }
0x97: {  	_ =	strace $0x8FFFFFFF  }
0x98: {  	s19 =	sld [smem:$0x3FDB];
	_ =	sdelay $0x1  }
0x99: {  	s20 =	simm.s32 $_scs_section_size  }
0x9a: {  	s4 =	simm.s32 $_size__tile_overlayer_lowered;
	s5 =	simm.s32 $_tile_overlayer_lowered  }
0x9b: {  	s6 =	simm.s32 $0x1BFF;
	s21 =	sshll.u32 s5, $0x1;
	s3 =	sadd.s32 s20, s19  }
0x9c: {  	s22 =	simm.s32 $0x0;
	s4 =	sshll.u32 s4, $0x1;
	s5 =	sadd.s32 s21, s3  }
0x9d: {  	[timem:s22], [sflag:s6] =	dma.local [hbm:s5], s4  }
0x9e: {  	_ =	swait.ge [sflag:s6], s4  }
0x9f: {  	s4 =	ssub.s32 $0x0, s4;
	[sflag:s6] =	ssyncset.done $0x0  }
0xa0: {  	[sflag:s6] =	ssyncadd.s32 s4;
	_ =	sdelay $0x1  }
0xa1: {  	s23 =	simm.s32 $0x1B8B  }
0xa2: {  	_ =	swait.ge [sflag:s23], $0x1  }
0xa3: {  	[sflag:s23] =	ssyncset.done $0x0  }
0xa4: {  	[sflag:s23] =	ssyncadd.s32 $0xFFFFFFFF  }
0xa5: {  	s4 =	sld [smem:$0x0]  }
0xa6: {  	s5 =	sand.u32 $0xFFFFFFFE, s1  }
0xa7: {  	p0 =	sne.s32 s1, s5  }
0xa8: {  	s5 =	sshll.u32 @p0 s5, $0xE  }
0xa9: {  	s5 =	sadd.s32 @p0 $0x11B8D, s5;
	s6 =	sshll.u32 @p0 s4, $0x11  }
0xaa: {  	s5 =	sor.u32 @p0 s6, s5  }
0xab: {  	[sflag:s5] =	ssyncadd.remote.s32 @p0 $0x1;
	_ =	sdelay $0x1  }
0xac: {  	s5 =	simm.s32 @p0 $0x1B8D  }
0xad: {  	_ =	swait.eq @p0 [sflag:s5], $0x1  }
0xae: {  	[sflag:s5] =	ssyncadd.s32 @p0 $0xFFFFFFFF  }
0xaf: {  	s6 =	sshll.u32 @!p0 s1, $0xE  }
0xb0: {  	s6 =	sor.u32 @!p0 $0x4000, s6;
	s5 =	simm.s32 @!p0 $0x1B8D  }
0xb1: {  	s4 =	sshll.u32 @!p0 s4, $0x11;
	s6 =	sadd.s32 @!p0 $0x11B8D, s6;
	_ =	swait.eq @!p0 [sflag:s5], $0x1  }
0xb2: {  	s4 =	sor.u32 @!p0 s4, s6;
	[sflag:s5] =	ssyncadd.s32 @!p0 $0xFFFFFFFF  }
0xb3: {  	s25 =	simm.s32 $0x1B8E;
	s24 =	sld [smem:$0x3FFE];
	[sflag:s4] =	ssyncadd.remote.s32 @!p0 $0x1  }
0xb4: {  	s26 =	simm.s32 $execute0_lowered;
	[smem:$0x3FD2] =	sst s25  }
0xb5: {  	s5 =	sshll.u32 s26, $0x1;
	_ =	strace $0x80000049;
	[dreg:$0x1] =	wrdreg $0xFFFFFFFF  }
0xb6: {  	s28 =	simm.s32 $_size_execute0_lowered;
	s3 =	sadd.s32 s3, s5;
	[dreg:$0x0] =	wrdreg $0x0  }
0xb7: {  	s5 =	sshll.u32 s28, $0x1;
	[dreg:$0x2] =	wrdreg s3  }
0xb8: {  	[dreg:$0x3] =	wrdreg s5  }
0xb9: {  	[dreg:$0x4] =	wrdreg $0xC0  }
0xba: {  	_ =	task [dreg:s22], $0x5FFFF  }
0xbb: {  	[dreg:$0x1] =	wrdreg $0xFFFFFFFF  }
0xbc: {  	[dreg:$0x0] =	wrdreg $0x60  }
0xbd: {  	[dreg:$0x2] =	wrdreg s24  }
0xbe: {  	[dreg:$0x3] =	wrdreg $0xC2000  }
0xbf: {  	[dreg:$0x4] =	wrdreg $0xA  }
0xc0: {  	_ =	task.clear_ibuf [dreg:s22], $0x5FFFF;
	_ =	strace $0x90000049  }
0xc1: {  	s29 =	simm.s32 $0xA;
	_ =	strace $0x8000004B  }
0xc2: {  	_ =	swait.ge [sflag:s29], $0x1  }
0xc3: {  	[sflag:s29] =	ssyncadd.s32 $0xFFFFFFFF  }
0xc4: {  	_ =	strace $0x9000004B  }
0xc5: {  	_ =	sfence  }
0xc6: {  	s30 =	sld [smem:$0x0];
	_ =	sdelay $0x2  }
0xc7: {  	s31 =	sshll.u32 s1, $0xD;
	s1 =	sshrl.u32 s1, $0x2  }
0xc8: {  	s4 =	sand.u32 $0x4000, s31;
	s1 =	sadd.s32 s1, s30  }
0xc9: {  	s0 =	sor.u32 s4, s0;
	s1 =	sshll.u32 s1, $0x11  }
0xca: {  	s0 =	sor.u32 s1, s0  }
0xcb: {  	s0 =	sadd.s32 $0x8F2B, s0  }
0xcc: {  	[sflag:s0] =	ssyncadd.remote.s32 $0x1  }
0xcd: {  	_ =	sfence.sel $0xFFFF  }
0xce: {  	[dreg:$0x0] =	wrdreg $0xFFFFFFFF;
	(pc) =	sbr.abs _section_cstart, $3  }
0xcf: {  	[dreg:$0x1] =	wrdreg $0xFFFFFFFF  }
0xd0: {  	_ =	task.clear_ibuf [dreg:s22], $0x2FFFF;
	_ =	strace $0x9FFFFFFF  }
0xd1: {  	(tm) =	ssettm $0x7FFFFFFF  }
tec
execute0_lowered:
.L_overlay_start_1:
0x0: {  	(tag) =	ssettag $0x1  }
0x1: {  	s4 =	rddreg [dreg:$0x0]  }
0x2: {  	s5 =	rddreg [dreg:$0x1]  }
0x3: {  	s0 =	rddreg [dreg:$0x2];
	s2 =	simm.s32 $0x0  }
0x4: {  	s1 =	stileid.u32;
	s6 =	srdreg.scid;
	s18 =	simm.s32 $0x1  }
0x5: {  	s19 =	simm.s32 $0x4200;
	s20 =	simm.s32 $0x400;
	s21 =	simm.s32 $0x800  }
0x6: {  	s22 =	simm.s32 $0x200;
	s23 =	simm.s32 $0x80;
	s28 =	simm.s32 $0x0  }
0x7: {  	[smem:$0x7FF] =	sst s2;
	s3 =	sshll.u32 s1, $0x6;
	s6 =	sand.u32 $0x1, s6  }
0x8: {  	s8 =	sshrl.u32 s1, $0x3;
	s10 =	sand.u32 $0x7, s1;
	_ =	strace $0x8000004A  }
0x9: {  	s7 =	sand.u32 $0x1C0, s3;
	s9 =	sshll.u32 s6, $0x1;
	s11 =	sshll.u32 s10, $0xE  }
0xa: {  	s13 =	sshll.u32 s10, $0xD;
	s6 =	ssub.s32 $0x2, s6;
	s29 =	sshll.u32 s8, $0x12  }
0xb: {  	s30 =	sshll.u32 s10, $0xF;
	s7 =	sadd.s32 s7, s4;
	s9 =	sor.u32 s8, s9  }
0xc: {  	s11 =	sadd.s32 s11, s4;
	s24 =	sshrl.u32 s6, $0x1;
	s12 =	sshll.u32 s9, $0x10  }
0xd: {  	s25 =	sshll.u32 s9, $0x9;
	s14 =	ssub.s32 s6, s24;
	s31 =	sshll.u32 s9, $0x11  }
0xe: {  	s24 =	simm.s32 $0x100;
	s12 =	sor.u32 s13, s12;
	s26 =	sadd.s32 s25, s7  }
0xf: {  	s17 =	sadd.s32 s31, s11;
	s11 =	smax.u32 s14, $0x1;
	s25 =	simm.s32 $0x180  }
0x10: {  	s12 =	sadd.s32 s12, s4;
	s4 =	sadd.s32 s29, s5;
	s5 =	sadd.s32 $0xC1C00, s26  }
0x11: {  	s7 =	sadd.s32 $0x1400, s17;
	s9 =	sadd.s32 $0x1480, s17;
	s13 =	sadd.s32 $0x3400, s17  }
0x12: {  	s14 =	sadd.s32 $0x4400, s17;
	s15 =	sadd.s32 $0x2480, s17;
	s16 =	sadd.s32 $0x3480, s17  }
0x13: {  	s26 =	simm.s32 $0x8;
	s6 =	sadd.s32 s30, s4;
	s8 =	sadd.s32 $0xE2400, s12  }
0x14: {  	v0 =	vimm.f32 $0.0e+00;
	s10 =	sadd.s32 $0xE2480, s12;
	s12 =	sadd.s32 $0x2400, s17;
	s17 =	sadd.s32 $0x4480, s17  }
.LBB2_1:
0x15: {  	s29 =	simm.s32 $0x0;
	s30 =	simm.s32 $0x800  }
.LBB2_2:
0x16: {  	p0 =	sne.s32 s30, $0x1F800;
	[tilespmem:s29+$0x43F0] =	vst v0  }
0x17: {  	[tilespmem:s29+$0x4200] =	vst v0  }
0x18: {  	[tilespmem:s29+$0x4210] =	vst v0  }
0x19: {  	[tilespmem:s29+$0x4220] =	vst v0  }
0x1a: {  	[tilespmem:s29+$0x4230] =	vst v0  }
0x1b: {  	[tilespmem:s29+$0x4240] =	vst v0  }
0x1c: {  	[tilespmem:s29+$0x4250] =	vst v0  }
0x1d: {  	[tilespmem:s29+$0x4260] =	vst v0  }
0x1e: {  	[tilespmem:s29+$0x4270] =	vst v0  }
0x1f: {  	[tilespmem:s29+$0x4280] =	vst v0  }
0x20: {  	[tilespmem:s29+$0x4290] =	vst v0  }
0x21: {  	[tilespmem:s29+$0x42A0] =	vst v0  }
0x22: {  	[tilespmem:s29+$0x42B0] =	vst v0  }
0x23: {  	[tilespmem:s29+$0x42C0] =	vst v0  }
0x24: {  	[tilespmem:s29+$0x42D0] =	vst v0  }
0x25: {  	[tilespmem:s29+$0x42E0] =	vst v0  }
0x26: {  	[tilespmem:s29+$0x42F0] =	vst v0  }
0x27: {  	[tilespmem:s29+$0x4300] =	vst v0  }
0x28: {  	[tilespmem:s29+$0x4310] =	vst v0  }
0x29: {  	[tilespmem:s29+$0x4320] =	vst v0  }
0x2a: {  	[tilespmem:s29+$0x4330] =	vst v0  }
0x2b: {  	[tilespmem:s29+$0x4340] =	vst v0  }
0x2c: {  	[tilespmem:s29+$0x4350] =	vst v0  }
0x2d: {  	[tilespmem:s29+$0x4360] =	vst v0  }
0x2e: {  	[tilespmem:s29+$0x4370] =	vst v0  }
0x2f: {  	[tilespmem:s29+$0x4380] =	vst v0  }
0x30: {  	[tilespmem:s29+$0x4390] =	vst v0  }
.Ltmp0:
0x31: {  	[tilespmem:s29+$0x43A0] =	vst v0;
	(pc) =	sbr.rel @p0 .LBB2_2-.Ltmp0, $4  }
0x32: {  	[tilespmem:s29+$0x43B0] =	vst v0  }
0x33: {  	[tilespmem:s29+$0x43C0] =	vst v0  }
0x34: {  	[tilespmem:s29+$0x43D0] =	vst v0  }
0x35: {  	[tilespmem:s29+$0x43E0] =	vst v0;
	s29 =	sshra.s32 s30, $0x2;
	s30 =	sadd.s32 $0x800, s30  }
0x36: {  	[tilespmem:s29+$0x43F0] =	vst v0  }
0x37: {  	[tilespmem:s29+$0x4200] =	vst v0  }
0x38: {  	[tilespmem:s29+$0x4210] =	vst v0  }
0x39: {  	[tilespmem:s29+$0x4220] =	vst v0  }
0x3a: {  	[tilespmem:s29+$0x4230] =	vst v0  }
0x3b: {  	[tilespmem:s29+$0x4240] =	vst v0  }
0x3c: {  	[tilespmem:s29+$0x4250] =	vst v0  }
0x3d: {  	[tilespmem:s29+$0x4260] =	vst v0  }
0x3e: {  	[tilespmem:s29+$0x4270] =	vst v0  }
0x3f: {  	[tilespmem:s29+$0x4280] =	vst v0  }
0x40: {  	[tilespmem:s29+$0x4290] =	vst v0  }
0x41: {  	[tilespmem:s29+$0x42A0] =	vst v0  }
0x42: {  	[tilespmem:s29+$0x42B0] =	vst v0  }
0x43: {  	[tilespmem:s29+$0x42C0] =	vst v0  }
0x44: {  	[tilespmem:s29+$0x42D0] =	vst v0  }
0x45: {  	[tilespmem:s29+$0x42E0] =	vst v0  }
0x46: {  	[tilespmem:s29+$0x42F0] =	vst v0  }
0x47: {  	[tilespmem:s29+$0x4300] =	vst v0  }
0x48: {  	[tilespmem:s29+$0x4310] =	vst v0  }
0x49: {  	[tilespmem:s29+$0x4320] =	vst v0  }
0x4a: {  	[tilespmem:s29+$0x4330] =	vst v0  }
0x4b: {  	[tilespmem:s29+$0x4340] =	vst v0  }
0x4c: {  	[tilespmem:s29+$0x4350] =	vst v0  }
0x4d: {  	[tilespmem:s29+$0x4360] =	vst v0  }
0x4e: {  	[tilespmem:s29+$0x4370] =	vst v0  }
0x4f: {  	[tilespmem:s29+$0x4380] =	vst v0  }
0x50: {  	[tilespmem:s29+$0x4390] =	vst v0  }
0x51: {  	[tilespmem:s29+$0x43A0] =	vst v0  }
0x52: {  	[tilespmem:s29+$0x43B0] =	vst v0  }
0x53: {  	[tilespmem:s29+$0x43C0] =	vst v0  }
0x54: {  	[tilespmem:s29+$0x43D0] =	vst v0  }
0x55: {  	[tilespmem:s29+$0x43E0] =	vst v0  }
0x56: {  	[tilespmem:s2], [sflag:$0x1] =	stream.linear.gather [hbm4b:s5+s2], $0x200, $0x38;
	[tilespmem:$0x14200] =	vst v63  }
0x57: {  	_ =	swait.ge [sflag:s18], $0x200  }
0x58: {  	[sflag:s18] =	ssyncset.done $0x0  }
0x59: {  	[sflag:s18] =	ssyncadd.s32 $0xFFFFFE00  }
0x5a: {  	[spmem:s6] =	stream.linear.scatter [tilespmem:s19], [sflag:$0x1], $0x8000, $0x38;
	[tilespmem:$0x14200] =	vst v63  }
0x5b: {  	_ =	swait.ge [sflag:s18], $0x8000  }
0x5c: {  	[sflag:s18] =	ssyncset.done $0x0  }
0x5d: {  	[sflag:s18] =	ssyncadd.s32 $0xFFFF8000  }
0x5e: {  	[bflag:$0x0] =	sbarrier.arrive $0xFFFF  }
0x5f: {  	[tilespmem:s22], [sflag:$0x1] =	stream.strided.gather [hbm4b:s7+s20], $0x4000, s21, s20, $0x38;
	[tilespmem:$0x14200] =	vst v63  }
0x60: {  	_ =	swait.ge [sflag:s18], $0x4000  }
0x61: {  	[sflag:s18] =	ssyncset.done $0x0  }
0x62: {  	[sflag:s18] =	ssyncadd.s32 $0xFFFFC000  }
0x63: {  	[spmem:s4] =	stream.indirect.scatter.add.f32 [tilespmem:s22], [sflag:$0x1], $0x80, s2, s23, $0xb8;
	[tilespmem:$0x14200] =	vst v63  }
0x64: {  	_ =	swait.ge [sflag:s18], $0x4000  }
0x65: {  	[sflag:s18] =	ssyncset.done $0x0  }
0x66: {  	[sflag:s18] =	ssyncadd.s32 $0xFFFFC000  }
0x67: {  	[tilespmem:s22], [sflag:$0x1] =	stream.strided.gather [hbm4b:s12+s20], $0x4000, s21, s20, $0x38;
	[tilespmem:$0x14200] =	vst v63  }
0x68: {  	_ =	swait.ge [sflag:s18], $0x4000  }
0x69: {  	[sflag:s18] =	ssyncset.done $0x0  }
0x6a: {  	[sflag:s18] =	ssyncadd.s32 $0xFFFFC000  }
0x6b: {  	[spmem:s4] =	stream.indirect.scatter.add.f32 [tilespmem:s22], [sflag:$0x1], $0x80, s23, s23, $0xb8;
	[tilespmem:$0x14200] =	vst v63  }
0x6c: {  	_ =	swait.ge [sflag:s18], $0x4000  }
0x6d: {  	[sflag:s18] =	ssyncset.done $0x0  }
0x6e: {  	[sflag:s18] =	ssyncadd.s32 $0xFFFFC000  }
0x6f: {  	[tilespmem:s22], [sflag:$0x1] =	stream.strided.gather [hbm4b:s13+s20], $0x4000, s21, s20, $0x38;
	[tilespmem:$0x14200] =	vst v63  }
0x70: {  	_ =	swait.ge [sflag:s18], $0x4000  }
0x71: {  	[sflag:s18] =	ssyncset.done $0x0  }
0x72: {  	[sflag:s18] =	ssyncadd.s32 $0xFFFFC000  }
0x73: {  	[spmem:s4] =	stream.indirect.scatter.add.f32 [tilespmem:s22], [sflag:$0x1], $0x80, s24, s23, $0xb8;
	[tilespmem:$0x14200] =	vst v63  }
0x74: {  	_ =	swait.ge [sflag:s18], $0x4000  }
0x75: {  	[sflag:s18] =	ssyncset.done $0x0  }
0x76: {  	[sflag:s18] =	ssyncadd.s32 $0xFFFFC000  }
0x77: {  	[tilespmem:s22], [sflag:$0x1] =	stream.strided.gather [hbm4b:s14+s20], $0x4000, s21, s20, $0x38;
	[tilespmem:$0x14200] =	vst v63  }
0x78: {  	_ =	swait.ge [sflag:s18], $0x4000  }
0x79: {  	[sflag:s18] =	ssyncset.done $0x0  }
0x7a: {  	[sflag:s18] =	ssyncadd.s32 $0xFFFFC000  }
0x7b: {  	[spmem:s4] =	stream.indirect.scatter.add.f32 [tilespmem:s22], [sflag:$0x1], $0x80, s25, s23, $0xb8;
	[tilespmem:$0x14200] =	vst v63  }
0x7c: {  	_ =	swait.ge [sflag:s18], $0x4000  }
0x7d: {  	[sflag:s18] =	ssyncset.done $0x0  }
0x7e: {  	[sflag:s18] =	ssyncadd.s32 $0xFFFFC000  }
0x7f: {  	s31 =	sor.u32 $0x1C01, s3;
	s30 =	sshrl.u32 s6, $0x3;
	[bflag:$0x0] =	sbarrier.arrive $0xFFFF  }
0x80: {  	[hbm:s8@s24], [sflag:s31] =	dma.strided [spmem:s30@s23], $0x1000, s26, $0x10   }
0x81: {  	_ =	swait.ge [sflag:s18], $0x1000  }
0x82: {  	[sflag:s18] =	ssyncset.done $0x0  }
0x83: {  	[sflag:s18] =	ssyncadd.s32 $0xFFFFF000  }
0x84: {  	[bflag:$0x0] =	sbarrier.arrive $0xFFFF  }
0x85: {  	[spmem:s6] =	stream.linear.scatter [tilespmem:s19], [sflag:$0x1], $0x8000, $0x38;
	[tilespmem:$0x14200] =	vst v63  }
0x86: {  	_ =	swait.ge [sflag:s18], $0x8000  }
0x87: {  	[sflag:s18] =	ssyncset.done $0x0  }
0x88: {  	[sflag:s18] =	ssyncadd.s32 $0xFFFF8000  }
0x89: {  	[bflag:$0x0] =	sbarrier.arrive $0xFFFF  }
0x8a: {  	[tilespmem:s22], [sflag:$0x1] =	stream.strided.gather [hbm4b:s9+s20], $0x4000, s21, s20, $0x38;
	[tilespmem:$0x14200] =	vst v63  }
0x8b: {  	_ =	swait.ge [sflag:s18], $0x4000  }
0x8c: {  	[sflag:s18] =	ssyncset.done $0x0  }
0x8d: {  	[sflag:s18] =	ssyncadd.s32 $0xFFFFC000  }
0x8e: {  	[spmem:s4] =	stream.indirect.scatter.add.f32 [tilespmem:s22], [sflag:$0x1], $0x80, s2, s23, $0xb8;
	[tilespmem:$0x14200] =	vst v63  }
0x8f: {  	_ =	swait.ge [sflag:s18], $0x4000  }
0x90: {  	[sflag:s18] =	ssyncset.done $0x0  }
0x91: {  	[sflag:s18] =	ssyncadd.s32 $0xFFFFC000  }
0x92: {  	[tilespmem:s22], [sflag:$0x1] =	stream.strided.gather [hbm4b:s15+s20], $0x4000, s21, s20, $0x38;
	[tilespmem:$0x14200] =	vst v63  }
0x93: {  	_ =	swait.ge [sflag:s18], $0x4000  }
0x94: {  	[sflag:s18] =	ssyncset.done $0x0  }
0x95: {  	[sflag:s18] =	ssyncadd.s32 $0xFFFFC000  }
0x96: {  	[spmem:s4] =	stream.indirect.scatter.add.f32 [tilespmem:s22], [sflag:$0x1], $0x80, s23, s23, $0xb8;
	[tilespmem:$0x14200] =	vst v63  }
0x97: {  	_ =	swait.ge [sflag:s18], $0x4000  }
0x98: {  	[sflag:s18] =	ssyncset.done $0x0  }
0x99: {  	[sflag:s18] =	ssyncadd.s32 $0xFFFFC000  }
0x9a: {  	[tilespmem:s22], [sflag:$0x1] =	stream.strided.gather [hbm4b:s16+s20], $0x4000, s21, s20, $0x38;
	[tilespmem:$0x14200] =	vst v63  }
0x9b: {  	_ =	swait.ge [sflag:s18], $0x4000  }
0x9c: {  	[sflag:s18] =	ssyncset.done $0x0  }
0x9d: {  	[sflag:s18] =	ssyncadd.s32 $0xFFFFC000  }
0x9e: {  	[spmem:s4] =	stream.indirect.scatter.add.f32 [tilespmem:s22], [sflag:$0x1], $0x80, s24, s23, $0xb8;
	[tilespmem:$0x14200] =	vst v63  }
0x9f: {  	_ =	swait.ge [sflag:s18], $0x4000  }
0xa0: {  	[sflag:s18] =	ssyncset.done $0x0  }
0xa1: {  	[sflag:s18] =	ssyncadd.s32 $0xFFFFC000  }
0xa2: {  	[tilespmem:s22], [sflag:$0x1] =	stream.strided.gather [hbm4b:s17+s20], $0x4000, s21, s20, $0x38;
	[tilespmem:$0x14200] =	vst v63  }
0xa3: {  	_ =	swait.ge [sflag:s18], $0x4000  }
0xa4: {  	[sflag:s18] =	ssyncset.done $0x0  }
0xa5: {  	[sflag:s18] =	ssyncadd.s32 $0xFFFFC000  }
0xa6: {  	[spmem:s4] =	stream.indirect.scatter.add.f32 [tilespmem:s22], [sflag:$0x1], $0x80, s25, s23, $0xb8;
	[tilespmem:$0x14200] =	vst v63  }
0xa7: {  	_ =	swait.ge [sflag:s18], $0x4000  }
0xa8: {  	[sflag:s18] =	ssyncset.done $0x0  }
0xa9: {  	s28 =	sadd.s32 $0x1, s28;
	[sflag:s18] =	ssyncadd.s32 $0xFFFFC000  }
0xaa: {  	p0 =	sne.s32 s28, s11;
	[bflag:$0x0] =	sbarrier.arrive $0xFFFF  }
0xab: {  	[hbm:s10@s24], [sflag:s31] =	dma.strided [spmem:s30@s23], $0x1000, s26, $0x10   }
.Ltmp1:
0xac: {  	_ =	swait.ge [sflag:s18], $0x1000;
	(pc) =	sbr.rel @p0 .LBB2_1-.Ltmp1, $3  }
0xad: {  	[sflag:s18] =	ssyncset.done $0x0  }
0xae: {  	[sflag:s18] =	ssyncadd.s32 $0xFFFFF000  }
0xaf: {  	[bflag:$0x0] =	sbarrier.arrive $0xFFFF;
	_ =	sdelay $0x1  }
0xb0: {  	_ =	sfence.sel $0x180000  }
0xb1: {  	[bflag:$0x0] =	sbarrier.arrive $0xFFFF  }
0xb2: {  	p0 =	sne.s32 s1, $0x0;
	_ =	strace $0x9000004A  }
0xb3: {  	s0 =	sadd.s32 @!p0 $0x100000, s0;
	[bflag:$0x2] =	sbarrier.arrive $0xFFFF  }
0xb4: {  	[sflag:s0] =	ssyncadd.tile.s32 @!p0 $0x1;
	_ =	shalt  }
.Lfunc_end2:
_tile_overlayer_lowered:
.L_overlay_start_2:
0xb5: {  	(tag) =	ssettag $0x2  }
0xb6: {  	s0 =	rddreg [dreg:$0x0];
	s2 =	stileid.u32  }
0xb7: {  	s1 =	rddreg [dreg:$0x1];
	p0 =	sne.s32 s2, $0x0  }
0xb8: {  	s3 =	rddreg [dreg:$0x2];
	[bflag:$0x3] =	sbarrier.arrive $0xFFFF;
	s2 =	simm.s32 @!p0 $0x1C01  }
0xb9: {  	[timem:s3], [sflag:s2] =	dma.local @!p0 [hbm:s0], s1  }
0xba: {  	s0 =	simm.s32 @!p0 $0x1  }
0xbb: {  	_ =	swait.ge @!p0 [sflag:s0], s1  }
0xbc: {  	s1 =	ssub.s32 @!p0 $0x0, s1;
	[sflag:s0] =	ssyncset.done @!p0 $0x0  }
0xbd: {  	[sflag:s0] =	ssyncadd.s32 @!p0 s1  }
0xbe: {  	[bflag:$0x3] =	sbarrier.arrive $0xFFFF  }
0xbf: {  	_ =	shalt  }

// kernel: kernel.8.cloned.1.call-start
scs
__scs_entry_jumppad:
0x0: {  	(pc) =	sbr.rel $0x88, $3  }
0x1: {  	(tag) =	ssettag $0x0;
	lr =	simm.s32 $0x1  }
0x2: {  	[smem:$0x3F9E] =	sst lr;
	_ =	strace $0xD0000000  }
0x3: {  	_ = 	snop  }
0x4: {  	_ = 	snop  }
0x5: {  	_ = 	snop  }
0x6: {  	_ = 	snop  }
0x7: {  	_ = 	snop  }
__scs_overlays_trampoline_lowered:
0x8: {  	[smem:$0x3FAD] =	sst s0  }
0x9: {  	[smem:$0x3FAE] =	sst s1  }
0xa: {  	[smem:$0x3FAF] =	sst s2  }
0xb: {  	[smem:$0x3FB0] =	sst s3  }
0xc: {  	[smem:$0x3FB1] =	sst s4  }
0xd: {  	[smem:$0x3FB2] =	sst s5  }
0xe: {  	[smem:$0x3FB3] =	sst s6  }
0xf: {  	[smem:$0x3FB4] =	sst s7  }
0x10: {  	[smem:$0x3FB5] =	sst s8  }
0x11: {  	[smem:$0x3FB6] =	sst s9;
	s0 =	simm.s32 @!p0 $0x0  }
0x12: {  	s1 =	sld [smem:$0x3F9C];
	s0 =	simm.s32 @p0 $0x1  }
0x13: {  	[smem:$0x3FB7] =	sst s0;
	s0 =	simm.s32 @!p1 $0x0  }
0x14: {  	s2 =	sld [smem:$0x3F9B];
	s0 =	simm.s32 @p1 $0x1  }
0x15: {  	[smem:$0x3FB8] =	sst s0;
	s0 =	simm.s32 @!p2 $0x0  }
0x16: {  	s3 =	sld [smem:$0x3FDB];
	s0 =	simm.s32 @p2 $0x1  }
0x17: {  	s4 =	simm.s32 $0x1BF5;
	[smem:$0x3FBA] =	sst s0  }
0x18: {  	s0 =	sld [smem:$0x3F9D];
	_ =	swait.ge [sflag:s4], $0x0  }
0x19: {  	s7 =	sld [smem:$0x3F9E]  }
0x1a: {  	s8 =	sadd.s32 $0xFFFFE003, lr  }
0x1b: {  	s9 =	sadd.s32 $0xFFFFFEF7, lr;
	s5 =	simm.s32 $0xFFFFFFFF;
	p2 =	slt.u32 s8, $0xFFFFF086  }
0x1c: {  	p1 =	slt.u32 s9, $0xF7A;
	s5 =	simm.s32 @!p2 $0x0  }
0x1d: {  	s5 =	simm.s32 @p1 $0x1;
	p0 =	seq.s32 s7, s2  }
0x1e: {  	s7 =	smul.u32 @!p0 $0xF7A, s2;
	p2 =	seq.s32 @!p0 s5, $0x0  }
0x1f: {  	s9 =	smul.u32 $0xF7A, s1;
	s8 =	simm.s32 @!p0 $0x1BF5;
	p2 =	por !p2, p0  }
0x20: {  	[sflag:s8] =	ssyncset.s32 @!p0 $0xFFFFF086;
	s6 =	sadd.s32 @!p0 s3, s7;
	s7 =	simm.s32 @!p0 $0x108  }
0x21: {  	s3 =	sadd.s32 s3, s9;
	s6 =	sadd.s32 @!p0 $0x88, s6;
	s7 =	simm.s32 @p2 $0x1082  }
0x22: {  	[simem:s7], [sflag:s8] =	dma.local @!p0 [hbm:s6], $0xF7A  }
0x23: {  	s9 =	sor.u32 $0xD0000000, s2;
	s6 =	simm.s32 $0x108;
	_ =	swait.ge @!p0 [sflag:s8], $0x0  }
0x24: {  	s3 =	sadd.s32 $0x88, s3;
	s6 =	simm.s32 @!p1 $0x1082;
	[sflag:s4] =	ssyncset.s32 $0xFFFFF086  }
0x25: {  	[simem:s6], [sflag:s4] =	dma.local [hbm:s3], $0xF7A  }
0x26: {  	[smem:$0x3F9E] =	sst s1;
	(tag) =	ssettag s2;
	_ =	strace s9  }
0x27: {  	s1 =	sld [smem:$0x3FAE]  }
0x28: {  	s2 =	sld [smem:$0x3FAF]  }
0x29: {  	s4 =	sld [smem:$0x3FB1]  }
0x2a: {  	p0 =	seq.s32 s5, $0x0;
	s5 =	sld [smem:$0x3FB2]  }
0x2b: {  	s6 =	sld [smem:$0x3FB3]  }
0x2c: {  	s7 =	sld [smem:$0x3FB4]  }
0x2d: {  	s3 =	simm.s32 $0x108;
	s8 =	sld [smem:$0x3FB5]  }
0x2e: {  	s3 =	simm.s32 @!p0 $0x1082;
	s9 =	sld [smem:$0x3FB6]  }
0x2f: {  	lr =	sadd.s32 s0, s3;
	s0 =	sld [smem:$0x3FAD]  }
0x30: {  	s3 =	sld [smem:$0x3FB0]  }
0x31: {  	[smem:$0x3FB9] =	sst s10  }
0x32: {  	s10 =	sld [smem:$0x3FB7];
	_ =	sdelay $0x3  }
0x33: {  	p0 =	seq.s32 s10, $0x1;
	s10 =	sld [smem:$0x3FB9];
	_ =	sdelay $0x3  }
0x34: {  	[smem:$0x3FB9] =	sst s10  }
0x35: {  	s10 =	sld [smem:$0x3FB8];
	_ =	sdelay $0x3  }
0x36: {  	p1 =	seq.s32 s10, $0x1;
	s10 =	sld [smem:$0x3FB9];
	_ =	sdelay $0x3  }
0x37: {  	[smem:$0x3FB9] =	sst s10  }
0x38: {  	s10 =	sld [smem:$0x3FBA]  }
0x39: {  	_ = 	snop;
	(pc) =	sbr.ind lr, $3  }
0x3a: {  	_ = 	snop  }
0x3b: {  	_ = 	snop  }
0x3c: {  	p2 =	seq.s32 s10, $0x1;
	s10 =	sld [smem:$0x3FB9]  }
0x3d: {  	_ =	shalt  }
0x3e: {  	_ =	shalt  }
0x3f: {  	_ =	shalt  }
0x40: {  	_ =	shalt  }
0x41: {  	_ =	shalt  }
0x42: {  	_ =	shalt  }
0x43: {  	_ =	shalt  }
0x44: {  	_ =	shalt  }
0x45: {  	_ =	shalt  }
0x46: {  	_ =	shalt  }
0x47: {  	_ =	shalt  }
0x48: {  	_ =	shalt  }
0x49: {  	_ =	shalt  }
0x4a: {  	_ =	shalt  }
0x4b: {  	_ =	shalt  }
0x4c: {  	_ =	shalt  }
0x4d: {  	_ =	shalt  }
0x4e: {  	_ =	shalt  }
0x4f: {  	_ =	shalt  }
0x50: {  	_ =	shalt  }
0x51: {  	_ =	shalt  }
0x52: {  	_ =	shalt  }
0x53: {  	_ =	shalt  }
0x54: {  	_ =	shalt  }
0x55: {  	_ =	shalt  }
0x56: {  	_ =	shalt  }
0x57: {  	_ =	shalt  }
0x58: {  	_ =	shalt  }
0x59: {  	_ =	shalt  }
0x5a: {  	_ =	shalt  }
0x5b: {  	_ =	shalt  }
0x5c: {  	_ =	shalt  }
0x5d: {  	_ =	shalt  }
0x5e: {  	_ =	shalt  }
0x5f: {  	_ =	shalt  }
0x60: {  	_ =	shalt  }
0x61: {  	_ =	shalt  }
0x62: {  	_ =	shalt  }
0x63: {  	_ =	shalt  }
0x64: {  	_ =	shalt  }
0x65: {  	_ =	shalt  }
0x66: {  	_ =	shalt  }
0x67: {  	_ =	shalt  }
0x68: {  	_ =	shalt  }
0x69: {  	_ =	shalt  }
0x6a: {  	_ =	shalt  }
0x6b: {  	_ =	shalt  }
0x6c: {  	_ =	shalt  }
0x6d: {  	_ =	shalt  }
0x6e: {  	_ =	shalt  }
0x6f: {  	_ =	shalt  }
0x70: {  	_ =	shalt  }
0x71: {  	_ =	shalt  }
0x72: {  	_ =	shalt  }
0x73: {  	_ =	shalt  }
0x74: {  	_ =	shalt  }
0x75: {  	_ =	shalt  }
0x76: {  	_ =	shalt  }
0x77: {  	_ =	shalt  }
0x78: {  	_ =	shalt  }
0x79: {  	_ =	shalt  }
0x7a: {  	_ =	shalt  }
0x7b: {  	_ =	shalt  }
0x7c: {  	_ =	shalt  }
0x7d: {  	_ =	shalt  }
0x7e: {  	_ =	shalt  }
0x7f: {  	_ =	shalt  }
0x80: {  	_ =	shalt  }
0x81: {  	_ =	shalt  }
0x82: {  	_ =	shalt  }
0x83: {  	_ =	shalt  }
0x84: {  	_ =	shalt  }
0x85: {  	_ =	shalt  }
0x86: {  	_ =	shalt  }
0x87: {  	_ =	shalt  }
.Lfunc_end0:
.L_simem_size_0:
called_computation_lowered:
.L_overlay_start_0:
0x88: {  	s2 =	sld [smem:$0x3FD9]  }
0x89: {  	s3 =	sld [smem:$0x3FFE];
	_ =	sdelay $0x1  }
0x8a: {  	s1 =	srdreg.scid  }
0x8b: {  	s0 =	sand.u32 $0x1, s1  }
0x8c: {  	s14 =	sshll.u32 s0, $0xA;
	s2 =	sadd.s32 s3, s2  }
0x8d: {  	s2 =	sadd.s32 s2, s14  }
0x8e: {  	[smem:$0x3FC5] =	sst s2  }
0x8f: {  	_ = 	snop  }
0x90: {  	s2 =	sld [smem:$0x3FD0];
	_ =	sdelay $0x2  }
0x91: {  	s15 =	simm.s32 $0xB;
	s4 =	simm.s32 $0x10  }
0x92: {  	[smem:s4], [sflag:s15] =	dma.local [hbm:s2], $0x1  }
0x93: {  	_ =	swait.eq [sflag:s15], $0x1  }
0x94: {  	[sflag:s15] =	ssyncset.done $0x0  }
0x95: {  	[sflag:s15] =	ssyncadd.s32 $0xFFFFFFFF  }
0x96: {  	s16 =	sld [smem:$0x10];
	(tm) =	ssettm $0x1  }
0x97: {  	s17 =	sld [smem:$0x3FFB];
	_ =	sdelay $0x3  }
0x98: {  	_ =	strace s17  }
0x99: {  	s3 =	sld [smem:$0x3FFC];
	_ =	sdelay $0x3  }
0x9a: {  	_ =	strace s3  }
0x9b: {  	s3 =	sld [smem:$0x3FFD];
	_ =	sdelay $0x3  }
0x9c: {  	_ =	strace s3  }
0x9d: {  	_ =	strace $0x8FFFFFFF  }
0x9e: {  	s18 =	sld [smem:$0x3FDB];
	_ =	sdelay $0x1  }
0x9f: {  	s19 =	simm.s32 $_scs_section_size  }
0xa0: {  	s5 =	simm.s32 $_size__tile_overlayer_lowered;
	s6 =	simm.s32 $_tile_overlayer_lowered  }
0xa1: {  	s22 =	simm.s32 $0x1BFF;
	s21 =	sshll.u32 s6, $0x1;
	s3 =	sadd.s32 s19, s18  }
0xa2: {  	s7 =	simm.s32 $0x0;
	s20 =	sshll.u32 s5, $0x1;
	s5 =	sadd.s32 s21, s3  }
0xa3: {  	[timem:s7], [sflag:s22] =	dma.local [hbm:s5], s20  }
0xa4: {  	_ =	swait.ge [sflag:s22], s20  }
0xa5: {  	s4 =	ssub.s32 $0x0, s20;
	[sflag:s22] =	ssyncset.done $0x0  }
0xa6: {  	[sflag:s22] =	ssyncadd.s32 s4;
	_ =	sdelay $0x1  }
0xa7: {  	s23 =	simm.s32 $0x1B8B  }
0xa8: {  	_ =	swait.ge [sflag:s23], $0x1  }
0xa9: {  	[sflag:s23] =	ssyncset.done $0x0  }
0xaa: {  	s25 =	simm.s32 $0x1B8E;
	s24 =	sld [smem:$0x3FFE];
	[sflag:s23] =	ssyncadd.s32 $0xFFFFFFFF  }
0xab: {  	s26 =	simm.s32 $execute0_lowered;
	[smem:$0x3FD2] =	sst s25  }
0xac: {  	s5 =	sshll.u32 s26, $0x1;
	_ =	strace $0x80000046;
	[dreg:$0x1] =	wrdreg $0xFFFFFFFF  }
0xad: {  	s28 =	simm.s32 $_size_execute0_lowered;
	s3 =	sadd.s32 s3, s5;
	[dreg:$0x0] =	wrdreg $0x0  }
0xae: {  	s5 =	sshll.u32 s28, $0x1;
	[dreg:$0x2] =	wrdreg s3  }
0xaf: {  	[dreg:$0x3] =	wrdreg s5  }
0xb0: {  	[dreg:$0x4] =	wrdreg $0xC0  }
0xb1: {  	_ =	task [dreg:s7], $0x5FFFF  }
0xb2: {  	[dreg:$0x1] =	wrdreg $0xFFFFFFFF  }
0xb3: {  	[dreg:$0x0] =	wrdreg $0x60  }
0xb4: {  	[dreg:$0x2] =	wrdreg s24  }
0xb5: {  	[dreg:$0x3] =	wrdreg s16  }
0xb6: {  	[dreg:$0x4] =	wrdreg $0xC2000  }
0xb7: {  	[dreg:$0x5] =	wrdreg $0x9  }
0xb8: {  	_ =	task.clear_ibuf [dreg:s7], $0x6FFFF;
	_ =	strace $0x90000046  }
0xb9: {  	s29 =	simm.s32 $0x9;
	_ =	strace $0x80000048  }
0xba: {  	_ =	swait.ge [sflag:s29], $0x1  }
0xbb: {  	[sflag:s29] =	ssyncadd.s32 $0xFFFFFFFF  }
0xbc: {  	_ =	strace $0x90000048  }
0xbd: {  	_ =	sfence  }
0xbe: {  	s30 =	sld [smem:$0x0];
	_ =	sdelay $0x2  }
0xbf: {  	s31 =	sshll.u32 s1, $0xD;
	s1 =	sshrl.u32 s1, $0x2  }
0xc0: {  	s3 =	sand.u32 $0x4000, s31;
	s1 =	sadd.s32 s1, s30  }
0xc1: {  	s0 =	sor.u32 s3, s0;
	s1 =	sshll.u32 s1, $0x11  }
0xc2: {  	s0 =	sor.u32 s1, s0  }
0xc3: {  	s0 =	sadd.s32 $0x8F2B, s0  }
0xc4: {  	[sflag:s0] =	ssyncadd.remote.s32 $0x1  }
0xc5: {  	_ =	sfence.sel $0xFFFF  }
0xc6: {  	[dreg:$0x0] =	wrdreg $0xFFFFFFFF;
	(pc) =	sbr.abs _section_cstart, $3  }
0xc7: {  	[dreg:$0x1] =	wrdreg $0xFFFFFFFF  }
0xc8: {  	_ =	task.clear_ibuf [dreg:s7], $0x2FFFF;
	_ =	strace $0x9FFFFFFF  }
0xc9: {  	(tm) =	ssettm $0x7FFFFFFF  }
tec
execute0_lowered:
.L_overlay_start_1:
0x0: {  	(tag) =	ssettag $0x1  }
0x1: {  	s4 =	rddreg [dreg:$0x0]  }
0x2: {  	s5 =	rddreg [dreg:$0x1]  }
0x3: {  	s6 =	rddreg [dreg:$0x2]  }
0x4: {  	s0 =	rddreg [dreg:$0x3]  }
0x5: {  	s2 =	simm.s32 $0x0;
	s3 =	srdreg.scid;
	s1 =	stileid.u32  }
0x6: {  	s18 =	simm.s32 $0x1;
	s19 =	simm.s32 $0x4200;
	s20 =	simm.s32 $0x400  }
0x7: {  	s21 =	simm.s32 $0x800;
	s22 =	simm.s32 $0x200;
	s23 =	simm.s32 $0x80  }
0x8: {  	s24 =	simm.s32 $0x100;
	s28 =	simm.s32 $0x0;
	[smem:$0x7FF] =	sst s2  }
0x9: {  	s7 =	sand.u32 $0x1, s3;
	s3 =	sshll.u32 s1, $0x6;
	s8 =	sshrl.u32 s1, $0x3  }
0xa: {  	s11 =	sand.u32 $0x7, s1;
	_ =	strace $0x80000047;
	s9 =	sshll.u32 s7, $0x1  }
0xb: {  	s10 =	sand.u32 $0x1C0, s3;
	s13 =	sshll.u32 s11, $0xD;
	s7 =	ssub.s32 $0x2, s7  }
0xc: {  	s30 =	sshll.u32 s11, $0xE;
	s31 =	sshll.u32 s11, $0xF;
	s9 =	sor.u32 s8, s9  }
0xd: {  	s10 =	sadd.s32 s10, s4;
	s26 =	sshrl.u32 s7, $0x1;
	s8 =	sshll.u32 s8, $0x12  }
0xe: {  	s12 =	sshll.u32 s9, $0x10;
	s25 =	sshll.u32 s9, $0x9;
	s29 =	ssub.s32 s7, s26  }
0xf: {  	s9 =	sshll.u32 s9, $0x11;
	s7 =	sadd.s32 s5, s30;
	s5 =	sadd.s32 s8, s6  }
0x10: {  	s26 =	simm.s32 $0x8;
	s12 =	sor.u32 s13, s12;
	s10 =	sadd.s32 s25, s10  }
0x11: {  	s6 =	sadd.s32 s9, s7;
	s7 =	sadd.s32 s31, s5;
	s11 =	smax.u32 s29, $0x1  }
0x12: {  	s25 =	simm.s32 $0x180;
	s12 =	sadd.s32 s12, s4;
	s4 =	sadd.s32 $0x81400, s10  }
0x13: {  	s9 =	sadd.s32 $0x80, s6;
	s13 =	sadd.s32 $0x2000, s6;
	s14 =	sadd.s32 $0x3000, s6  }
0x14: {  	s15 =	sadd.s32 $0x1080, s6;
	s16 =	sadd.s32 $0x2080, s6;
	s17 =	sadd.s32 $0x3080, s6  }
0x15: {  	v0 =	vimm.f32 $0.0e+00;
	s8 =	sadd.s32 $0x81C00, s12;
	s10 =	sadd.s32 $0x81C80, s12;
	s12 =	sadd.s32 $0x1000, s6  }
.LBB2_1:
0x16: {  	s29 =	simm.s32 $0x0;
	s30 =	simm.s32 $0x800  }
.LBB2_2:
0x17: {  	p0 =	sne.s32 s30, $0x1F800;
	[tilespmem:s29+$0x43F0] =	vst v0  }
0x18: {  	[tilespmem:s29+$0x4200] =	vst v0  }
0x19: {  	[tilespmem:s29+$0x4210] =	vst v0  }
0x1a: {  	[tilespmem:s29+$0x4220] =	vst v0  }
0x1b: {  	[tilespmem:s29+$0x4230] =	vst v0  }
0x1c: {  	[tilespmem:s29+$0x4240] =	vst v0  }
0x1d: {  	[tilespmem:s29+$0x4250] =	vst v0  }
0x1e: {  	[tilespmem:s29+$0x4260] =	vst v0  }
0x1f: {  	[tilespmem:s29+$0x4270] =	vst v0  }
0x20: {  	[tilespmem:s29+$0x4280] =	vst v0  }
0x21: {  	[tilespmem:s29+$0x4290] =	vst v0  }
0x22: {  	[tilespmem:s29+$0x42A0] =	vst v0  }
0x23: {  	[tilespmem:s29+$0x42B0] =	vst v0  }
0x24: {  	[tilespmem:s29+$0x42C0] =	vst v0  }
0x25: {  	[tilespmem:s29+$0x42D0] =	vst v0  }
0x26: {  	[tilespmem:s29+$0x42E0] =	vst v0  }
0x27: {  	[tilespmem:s29+$0x42F0] =	vst v0  }
0x28: {  	[tilespmem:s29+$0x4300] =	vst v0  }
0x29: {  	[tilespmem:s29+$0x4310] =	vst v0  }
0x2a: {  	[tilespmem:s29+$0x4320] =	vst v0  }
0x2b: {  	[tilespmem:s29+$0x4330] =	vst v0  }
0x2c: {  	[tilespmem:s29+$0x4340] =	vst v0  }
0x2d: {  	[tilespmem:s29+$0x4350] =	vst v0  }
0x2e: {  	[tilespmem:s29+$0x4360] =	vst v0  }
0x2f: {  	[tilespmem:s29+$0x4370] =	vst v0  }
0x30: {  	[tilespmem:s29+$0x4380] =	vst v0  }
0x31: {  	[tilespmem:s29+$0x4390] =	vst v0  }
.Ltmp0:
0x32: {  	[tilespmem:s29+$0x43A0] =	vst v0;
	(pc) =	sbr.rel @p0 .LBB2_2-.Ltmp0, $4  }
0x33: {  	[tilespmem:s29+$0x43B0] =	vst v0  }
0x34: {  	[tilespmem:s29+$0x43C0] =	vst v0  }
0x35: {  	[tilespmem:s29+$0x43D0] =	vst v0  }
0x36: {  	[tilespmem:s29+$0x43E0] =	vst v0;
	s29 =	sshra.s32 s30, $0x2;
	s30 =	sadd.s32 $0x800, s30  }
0x37: {  	[tilespmem:s29+$0x43F0] =	vst v0  }
0x38: {  	[tilespmem:s29+$0x4200] =	vst v0  }
0x39: {  	[tilespmem:s29+$0x4210] =	vst v0  }
0x3a: {  	[tilespmem:s29+$0x4220] =	vst v0  }
0x3b: {  	[tilespmem:s29+$0x4230] =	vst v0  }
0x3c: {  	[tilespmem:s29+$0x4240] =	vst v0  }
0x3d: {  	[tilespmem:s29+$0x4250] =	vst v0  }
0x3e: {  	[tilespmem:s29+$0x4260] =	vst v0  }
0x3f: {  	[tilespmem:s29+$0x4270] =	vst v0  }
0x40: {  	[tilespmem:s29+$0x4280] =	vst v0  }
0x41: {  	[tilespmem:s29+$0x4290] =	vst v0  }
0x42: {  	[tilespmem:s29+$0x42A0] =	vst v0  }
0x43: {  	[tilespmem:s29+$0x42B0] =	vst v0  }
0x44: {  	[tilespmem:s29+$0x42C0] =	vst v0  }
0x45: {  	[tilespmem:s29+$0x42D0] =	vst v0  }
0x46: {  	[tilespmem:s29+$0x42E0] =	vst v0  }
0x47: {  	[tilespmem:s29+$0x42F0] =	vst v0  }
0x48: {  	[tilespmem:s29+$0x4300] =	vst v0  }
0x49: {  	[tilespmem:s29+$0x4310] =	vst v0  }
0x4a: {  	[tilespmem:s29+$0x4320] =	vst v0  }
0x4b: {  	[tilespmem:s29+$0x4330] =	vst v0  }
0x4c: {  	[tilespmem:s29+$0x4340] =	vst v0  }
0x4d: {  	[tilespmem:s29+$0x4350] =	vst v0  }
0x4e: {  	[tilespmem:s29+$0x4360] =	vst v0  }
0x4f: {  	[tilespmem:s29+$0x4370] =	vst v0  }
0x50: {  	[tilespmem:s29+$0x4380] =	vst v0  }
0x51: {  	[tilespmem:s29+$0x4390] =	vst v0  }
0x52: {  	[tilespmem:s29+$0x43A0] =	vst v0  }
0x53: {  	[tilespmem:s29+$0x43B0] =	vst v0  }
0x54: {  	[tilespmem:s29+$0x43C0] =	vst v0  }
0x55: {  	[tilespmem:s29+$0x43D0] =	vst v0  }
0x56: {  	[tilespmem:s29+$0x43E0] =	vst v0  }
0x57: {  	[tilespmem:s2], [sflag:$0x1] =	stream.linear.gather [hbm4b:s4+s2], $0x200, $0x38;
	[tilespmem:$0x14200] =	vst v63  }
0x58: {  	_ =	swait.ge [sflag:s18], $0x200  }
0x59: {  	[sflag:s18] =	ssyncset.done $0x0  }
0x5a: {  	[sflag:s18] =	ssyncadd.s32 $0xFFFFFE00  }
0x5b: {  	[spmem:s7] =	stream.linear.scatter [tilespmem:s19], [sflag:$0x1], $0x8000, $0x38;
	[tilespmem:$0x14200] =	vst v63  }
0x5c: {  	_ =	swait.ge [sflag:s18], $0x8000  }
0x5d: {  	[sflag:s18] =	ssyncset.done $0x0  }
0x5e: {  	[sflag:s18] =	ssyncadd.s32 $0xFFFF8000  }
0x5f: {  	[bflag:$0x0] =	sbarrier.arrive $0xFFFF  }
0x60: {  	[tilespmem:s22], [sflag:$0x1] =	stream.strided.gather [hbm4b:s6+s20], $0x4000, s21, s20, $0x38;
	[tilespmem:$0x14200] =	vst v63  }
0x61: {  	_ =	swait.ge [sflag:s18], $0x4000  }
0x62: {  	[sflag:s18] =	ssyncset.done $0x0  }
0x63: {  	[sflag:s18] =	ssyncadd.s32 $0xFFFFC000  }
0x64: {  	[spmem:s5] =	stream.indirect.scatter.add.f32 [tilespmem:s22], [sflag:$0x1], $0x80, s2, s23, $0xb8;
	[tilespmem:$0x14200] =	vst v63  }
0x65: {  	_ =	swait.ge [sflag:s18], $0x4000  }
0x66: {  	[sflag:s18] =	ssyncset.done $0x0  }
0x67: {  	[sflag:s18] =	ssyncadd.s32 $0xFFFFC000  }
0x68: {  	[tilespmem:s22], [sflag:$0x1] =	stream.strided.gather [hbm4b:s12+s20], $0x4000, s21, s20, $0x38;
	[tilespmem:$0x14200] =	vst v63  }
0x69: {  	_ =	swait.ge [sflag:s18], $0x4000  }
0x6a: {  	[sflag:s18] =	ssyncset.done $0x0  }
0x6b: {  	[sflag:s18] =	ssyncadd.s32 $0xFFFFC000  }
0x6c: {  	[spmem:s5] =	stream.indirect.scatter.add.f32 [tilespmem:s22], [sflag:$0x1], $0x80, s23, s23, $0xb8;
	[tilespmem:$0x14200] =	vst v63  }
0x6d: {  	_ =	swait.ge [sflag:s18], $0x4000  }
0x6e: {  	[sflag:s18] =	ssyncset.done $0x0  }
0x6f: {  	[sflag:s18] =	ssyncadd.s32 $0xFFFFC000  }
0x70: {  	[tilespmem:s22], [sflag:$0x1] =	stream.strided.gather [hbm4b:s13+s20], $0x4000, s21, s20, $0x38;
	[tilespmem:$0x14200] =	vst v63  }
0x71: {  	_ =	swait.ge [sflag:s18], $0x4000  }
0x72: {  	[sflag:s18] =	ssyncset.done $0x0  }
0x73: {  	[sflag:s18] =	ssyncadd.s32 $0xFFFFC000  }
0x74: {  	[spmem:s5] =	stream.indirect.scatter.add.f32 [tilespmem:s22], [sflag:$0x1], $0x80, s24, s23, $0xb8;
	[tilespmem:$0x14200] =	vst v63  }
0x75: {  	_ =	swait.ge [sflag:s18], $0x4000  }
0x76: {  	[sflag:s18] =	ssyncset.done $0x0  }
0x77: {  	[sflag:s18] =	ssyncadd.s32 $0xFFFFC000  }
0x78: {  	[tilespmem:s22], [sflag:$0x1] =	stream.strided.gather [hbm4b:s14+s20], $0x4000, s21, s20, $0x38;
	[tilespmem:$0x14200] =	vst v63  }
0x79: {  	_ =	swait.ge [sflag:s18], $0x4000  }
0x7a: {  	[sflag:s18] =	ssyncset.done $0x0  }
0x7b: {  	[sflag:s18] =	ssyncadd.s32 $0xFFFFC000  }
0x7c: {  	[spmem:s5] =	stream.indirect.scatter.add.f32 [tilespmem:s22], [sflag:$0x1], $0x80, s25, s23, $0xb8;
	[tilespmem:$0x14200] =	vst v63  }
0x7d: {  	_ =	swait.ge [sflag:s18], $0x4000  }
0x7e: {  	[sflag:s18] =	ssyncset.done $0x0  }
0x7f: {  	[sflag:s18] =	ssyncadd.s32 $0xFFFFC000  }
0x80: {  	s31 =	sor.u32 $0x1C01, s3;
	s30 =	sshrl.u32 s7, $0x3;
	[bflag:$0x0] =	sbarrier.arrive $0xFFFF  }
0x81: {  	[hbm:s8@s24], [sflag:s31] =	dma.strided [spmem:s30@s23], $0x1000, s26, $0x10   }
0x82: {  	_ =	swait.ge [sflag:s18], $0x1000  }
0x83: {  	[sflag:s18] =	ssyncset.done $0x0  }
0x84: {  	[sflag:s18] =	ssyncadd.s32 $0xFFFFF000  }
0x85: {  	[bflag:$0x0] =	sbarrier.arrive $0xFFFF  }
0x86: {  	[spmem:s7] =	stream.linear.scatter [tilespmem:s19], [sflag:$0x1], $0x8000, $0x38;
	[tilespmem:$0x14200] =	vst v63  }
0x87: {  	_ =	swait.ge [sflag:s18], $0x8000  }
0x88: {  	[sflag:s18] =	ssyncset.done $0x0  }
0x89: {  	[sflag:s18] =	ssyncadd.s32 $0xFFFF8000  }
0x8a: {  	[bflag:$0x0] =	sbarrier.arrive $0xFFFF  }
0x8b: {  	[tilespmem:s22], [sflag:$0x1] =	stream.strided.gather [hbm4b:s9+s20], $0x4000, s21, s20, $0x38;
	[tilespmem:$0x14200] =	vst v63  }
0x8c: {  	_ =	swait.ge [sflag:s18], $0x4000  }
0x8d: {  	[sflag:s18] =	ssyncset.done $0x0  }
0x8e: {  	[sflag:s18] =	ssyncadd.s32 $0xFFFFC000  }
0x8f: {  	[spmem:s5] =	stream.indirect.scatter.add.f32 [tilespmem:s22], [sflag:$0x1], $0x80, s2, s23, $0xb8;
	[tilespmem:$0x14200] =	vst v63  }
0x90: {  	_ =	swait.ge [sflag:s18], $0x4000  }
0x91: {  	[sflag:s18] =	ssyncset.done $0x0  }
0x92: {  	[sflag:s18] =	ssyncadd.s32 $0xFFFFC000  }
0x93: {  	[tilespmem:s22], [sflag:$0x1] =	stream.strided.gather [hbm4b:s15+s20], $0x4000, s21, s20, $0x38;
	[tilespmem:$0x14200] =	vst v63  }
0x94: {  	_ =	swait.ge [sflag:s18], $0x4000  }
0x95: {  	[sflag:s18] =	ssyncset.done $0x0  }
0x96: {  	[sflag:s18] =	ssyncadd.s32 $0xFFFFC000  }
0x97: {  	[spmem:s5] =	stream.indirect.scatter.add.f32 [tilespmem:s22], [sflag:$0x1], $0x80, s23, s23, $0xb8;
	[tilespmem:$0x14200] =	vst v63  }
0x98: {  	_ =	swait.ge [sflag:s18], $0x4000  }
0x99: {  	[sflag:s18] =	ssyncset.done $0x0  }
0x9a: {  	[sflag:s18] =	ssyncadd.s32 $0xFFFFC000  }
0x9b: {  	[tilespmem:s22], [sflag:$0x1] =	stream.strided.gather [hbm4b:s16+s20], $0x4000, s21, s20, $0x38;
	[tilespmem:$0x14200] =	vst v63  }
0x9c: {  	_ =	swait.ge [sflag:s18], $0x4000  }
0x9d: {  	[sflag:s18] =	ssyncset.done $0x0  }
0x9e: {  	[sflag:s18] =	ssyncadd.s32 $0xFFFFC000  }
0x9f: {  	[spmem:s5] =	stream.indirect.scatter.add.f32 [tilespmem:s22], [sflag:$0x1], $0x80, s24, s23, $0xb8;
	[tilespmem:$0x14200] =	vst v63  }
0xa0: {  	_ =	swait.ge [sflag:s18], $0x4000  }
0xa1: {  	[sflag:s18] =	ssyncset.done $0x0  }
0xa2: {  	[sflag:s18] =	ssyncadd.s32 $0xFFFFC000  }
0xa3: {  	[tilespmem:s22], [sflag:$0x1] =	stream.strided.gather [hbm4b:s17+s20], $0x4000, s21, s20, $0x38;
	[tilespmem:$0x14200] =	vst v63  }
0xa4: {  	_ =	swait.ge [sflag:s18], $0x4000  }
0xa5: {  	[sflag:s18] =	ssyncset.done $0x0  }
0xa6: {  	[sflag:s18] =	ssyncadd.s32 $0xFFFFC000  }
0xa7: {  	[spmem:s5] =	stream.indirect.scatter.add.f32 [tilespmem:s22], [sflag:$0x1], $0x80, s25, s23, $0xb8;
	[tilespmem:$0x14200] =	vst v63  }
0xa8: {  	_ =	swait.ge [sflag:s18], $0x4000  }
0xa9: {  	[sflag:s18] =	ssyncset.done $0x0  }
0xaa: {  	s28 =	sadd.s32 $0x1, s28;
	[sflag:s18] =	ssyncadd.s32 $0xFFFFC000  }
0xab: {  	p0 =	sne.s32 s28, s11;
	[bflag:$0x0] =	sbarrier.arrive $0xFFFF  }
0xac: {  	[hbm:s10@s24], [sflag:s31] =	dma.strided [spmem:s30@s23], $0x1000, s26, $0x10   }
.Ltmp1:
0xad: {  	_ =	swait.ge [sflag:s18], $0x1000;
	(pc) =	sbr.rel @p0 .LBB2_1-.Ltmp1, $3  }
0xae: {  	[sflag:s18] =	ssyncset.done $0x0  }
0xaf: {  	[sflag:s18] =	ssyncadd.s32 $0xFFFFF000  }
0xb0: {  	[bflag:$0x0] =	sbarrier.arrive $0xFFFF;
	_ =	sdelay $0x1  }
0xb1: {  	_ =	sfence.sel $0x180000  }
0xb2: {  	[bflag:$0x0] =	sbarrier.arrive $0xFFFF  }
0xb3: {  	p0 =	sne.s32 s1, $0x0;
	_ =	strace $0x90000047  }
0xb4: {  	s0 =	sadd.s32 @!p0 $0x100000, s0;
	[bflag:$0x2] =	sbarrier.arrive $0xFFFF  }
0xb5: {  	[sflag:s0] =	ssyncadd.tile.s32 @!p0 $0x1;
	_ =	shalt  }
.Lfunc_end2:
_tile_overlayer_lowered:
.L_overlay_start_2:
0xb6: {  	(tag) =	ssettag $0x2  }
0xb7: {  	s0 =	rddreg [dreg:$0x0];
	s2 =	stileid.u32  }
0xb8: {  	s1 =	rddreg [dreg:$0x1];
	p0 =	sne.s32 s2, $0x0  }
0xb9: {  	s3 =	rddreg [dreg:$0x2];
	[bflag:$0x3] =	sbarrier.arrive $0xFFFF;
	s2 =	simm.s32 @!p0 $0x1C01  }
0xba: {  	[timem:s3], [sflag:s2] =	dma.local @!p0 [hbm:s0], s1  }
0xbb: {  	s0 =	simm.s32 @!p0 $0x1  }
0xbc: {  	_ =	swait.ge @!p0 [sflag:s0], s1  }
0xbd: {  	s1 =	ssub.s32 @!p0 $0x0, s1;
	[sflag:s0] =	ssyncset.done @!p0 $0x0  }
0xbe: {  	[sflag:s0] =	ssyncadd.s32 @!p0 s1  }
0xbf: {  	[bflag:$0x3] =	sbarrier.arrive $0xFFFF  }
0xc0: {  	_ =	shalt  }

</sc_bundles>
